<compile_context>
chip_gen: v7x
topology: tpu7x:2x2x1
jax: 0.10.2.dev20260603
libtpu: 0.0.44.dev20260713+nightly
codegen_flags: <defaults>
</compile_context>

<pallas_src>
import functools

import jax
import jax.numpy as jnp
from jax import lax
from jax.experimental import pallas as pl
from jax.experimental.pallas import tpu as pltpu
from jax.experimental.pallas import tpu_sc as plsc

NUM_CLASSES = 12
NFEAT = 16
NPROP = NFEAT - 1
NOUT = NUM_CLASSES + NPROP
LANES = 16
NCOL = 128
NUM_WORKERS = 32


def _sc_body(xt_hbm, ot_hbm, xv, ov, sem_a, sem_b, sem_o, batch):
    cid = lax.axis_index("c")
    sid = lax.axis_index("s")
    wid = sid * 2 + cid
    n0 = wid * NCOL
    halff = NFEAT // 2
    nt = NCOL // LANES

    one = jnp.full((LANES,), 1.0, jnp.float32)
    zero = jnp.zeros((LANES,), jnp.float32)
    cls = [jnp.full((LANES,), float(c), jnp.float32) for c in range(NUM_CLASSES)]

    cin0 = pltpu.async_copy(
        xt_hbm.at[:, pl.ds(0, halff), pl.ds(n0, NCOL)],
        xv.at[:, pl.ds(0, halff)],
        sem_a,
    )
    cin1 = pltpu.async_copy(
        xt_hbm.at[:, pl.ds(halff, halff), pl.ds(n0, NCOL)],
        xv.at[:, pl.ds(halff, halff)],
        sem_b,
    )

    def onehot_planes(c0, c1):
        def body(i, _):
            b = i >> 3
            sl = pl.ds((i & 7) * LANES, LANES)
            ids = xv[b, 0, sl]
            for c in range(c0, c1):
                ov[c, b, sl] = jnp.where(ids == cls[c], one, zero)
            return ()

        plsc.parallel_loop(0, batch * nt, 1, unroll=4, carry=())(body)

    def prop_planes(j0, j1):
        def body(i, _):
            j = j0 + (i >> 7)
            b = (i >> 3) & (batch - 1)
            sl = pl.ds((i & 7) * LANES, LANES)
            ov[NUM_CLASSES + j, b, sl] = xv[b, 1 + j, sl]
            return ()

        plsc.parallel_loop(0, (j1 - j0) * batch * nt, 1, unroll=8, carry=())(
            body
        )

    def out_group(p0, p1):
        return pltpu.async_copy(
            ov.at[pl.ds(p0, p1 - p0)],
            ot_hbm.at[pl.ds(p0, p1 - p0), :, pl.ds(n0, NCOL)],
            sem_o,
        )

    cin0.wait()
    onehot_planes(0, 4)
    g0 = out_group(0, 4)
    onehot_planes(4, 12)
    g1 = out_group(4, 12)
    prop_planes(0, 7)
    g2 = out_group(12, 19)
    cin1.wait()
    prop_planes(7, 11)
    g3 = out_group(19, 23)
    prop_planes(11, 15)
    g4 = out_group(23, 27)
    for g in (g0, g1, g2, g3, g4):
        g.wait()


def kernel(X):
    B, N, F = X.shape
    assert F == NFEAT
    assert N % (NUM_WORKERS * NCOL) == 0 or (B * N) % (NUM_WORKERS * NCOL) == 0

    xt = jnp.transpose(X, (0, 2, 1))
    mesh = plsc.VectorSubcoreMesh(core_axis_name="c", subcore_axis_name="s")
    ot = pl.kernel(
        functools.partial(_sc_body, batch=B),
        out_type=jax.ShapeDtypeStruct((NOUT, B, N), jnp.float32),
        mesh=mesh,
        compiler_params=pltpu.CompilerParams(
            needs_layout_passes=False,
            use_tc_tiling_on_sc=True,
        ),
        scratch_types=[
            pltpu.VMEM((B, NFEAT, NCOL), jnp.float32),
            pltpu.VMEM((NOUT, B, NCOL), jnp.float32),
            pltpu.SemaphoreType.DMA,
            pltpu.SemaphoreType.DMA,
            pltpu.SemaphoreType.DMA,
        ],
    )(xt)
    return jnp.transpose(ot, (1, 2, 0))

# --- scband reference (transcript-rebuilt; emitter-appended) ---
"""Pipeline reference for scband-input-encoding-8778913153232 (READ-ONLY COPY).

The authoritative reference and input builder live on the scoring server;
editing this copy changes nothing except your own understanding.
"""

import jax, jax.numpy as jnp
import numpy as np

NUM_INPUT_CLASSES = 12
BATCH = 16
NELEM = 4096
NPROP = 15  # Nfeat = 1 (class id) + NPROP


def setup_inputs(seed: int = 0) -> dict:
    key = jax.random.key(seed)
    k1, k2 = jax.random.split(key)
    # First feature column holds integer class ids stored as floats (as in the
    # original pipeline); remaining columns are continuous detector properties.
    ids = jax.random.randint(k1, (BATCH, NELEM), 0, NUM_INPUT_CLASSES).astype(jnp.float32)
    props = jax.random.normal(k2, (BATCH, NELEM, NPROP), dtype=jnp.float32)
    X = jnp.concatenate([ids[:, :, None], props], axis=-1)
    return {"X": X}


def reference(X):
    # Faithful translation of InputEncoding.call:
    #   Xid = one_hot(cast(X[:, :, 0], int32), num_input_classes) cast to X.dtype
    #   Xprop = X[:, :, 1:]
    #   return concat([Xid, Xprop], axis=-1)
    ids = jax.lax.stop_gradient(X[:, :, 0]).astype(jnp.int32)
    Xid = jax.nn.one_hot(ids, NUM_INPUT_CLASSES, dtype=X.dtype)
    Xprop = X[:, :, 1:]
    return jnp.concatenate([Xid, Xprop], axis=-1)

if __name__ == "__main__":
    import jax
    _d = setup_inputs()
    print(jax.jit(kernel)(*tuple(_d.values())))

</pallas_src>

<mosaic_0001>
#map = affine_map<(d0, d1) -> (0, 0, 0)>
module attributes {stable_mosaic.version = 14 : i64} {
  func.func @_sc_body(%arg0: i32, %arg1: i32, %arg2: memref<16x16x4096xf32, #tpu.memory_space<hbm>>, %arg3: memref<27x16x4096xf32, #tpu.memory_space<hbm>>, %arg4: memref<16x16x128xf32, #tpu.memory_space<vmem>>, %arg5: memref<27x16x128xf32, #tpu.memory_space<vmem>>, %arg6: memref<!tpu.dma_semaphore, #tpu.memory_space<semaphore_mem>>, %arg7: memref<!tpu.dma_semaphore, #tpu.memory_space<semaphore_mem>>, %arg8: memref<!tpu.dma_semaphore, #tpu.memory_space<semaphore_mem>>) attributes {dimension_semantics = [#tpu.dimension_semantics<core_parallel>, #tpu.dimension_semantics<subcore_parallel>], iteration_bounds = array<i64: 2, 16>, scalar_prefetch = 0 : i64, scratch_operands = 5 : i64, tpu.core_type = #tpu.core_type<sc_vector_subcore>, window_params = [{transform_indices = #map}, {transform_indices = #map}]} {
    %mul3A = arith.constant 2 : i32
    %mul3A_0 = arith.muli %arg1, %mul3A : i32
    %add3A = arith.addi %mul3A_0, %arg0 : i32
    %mul3A_1 = arith.constant 128 : i32
    %mul3A_2 = arith.muli %add3A, %mul3A_1 : i32
    %broadcast_in_dim3A = arith.constant 1.000000e+00 : f32
    %broadcast_in_dim3A_3 = vector.broadcast %broadcast_in_dim3A : f32 to vector<16xf32>
    %broadcast_in_dim3A_4 = arith.constant 0.000000e+00 : f32
    %broadcast_in_dim3A_5 = vector.broadcast %broadcast_in_dim3A_4 : f32 to vector<16xf32>
    %broadcast_in_dim3A_6 = arith.constant 0.000000e+00 : f32
    %broadcast_in_dim3A_7 = vector.broadcast %broadcast_in_dim3A_6 : f32 to vector<16xf32>
    %broadcast_in_dim3A_8 = arith.constant 1.000000e+00 : f32
    %broadcast_in_dim3A_9 = vector.broadcast %broadcast_in_dim3A_8 : f32 to vector<16xf32>
    %broadcast_in_dim3A_10 = arith.constant 2.000000e+00 : f32
    %broadcast_in_dim3A_11 = vector.broadcast %broadcast_in_dim3A_10 : f32 to vector<16xf32>
    %broadcast_in_dim3A_12 = arith.constant 3.000000e+00 : f32
    %broadcast_in_dim3A_13 = vector.broadcast %broadcast_in_dim3A_12 : f32 to vector<16xf32>
    %broadcast_in_dim3A_14 = arith.constant 4.000000e+00 : f32
    %broadcast_in_dim3A_15 = vector.broadcast %broadcast_in_dim3A_14 : f32 to vector<16xf32>
    %broadcast_in_dim3A_16 = arith.constant 5.000000e+00 : f32
    %broadcast_in_dim3A_17 = vector.broadcast %broadcast_in_dim3A_16 : f32 to vector<16xf32>
    %broadcast_in_dim3A_18 = arith.constant 6.000000e+00 : f32
    %broadcast_in_dim3A_19 = vector.broadcast %broadcast_in_dim3A_18 : f32 to vector<16xf32>
    %broadcast_in_dim3A_20 = arith.constant 7.000000e+00 : f32
    %broadcast_in_dim3A_21 = vector.broadcast %broadcast_in_dim3A_20 : f32 to vector<16xf32>
    %broadcast_in_dim3A_22 = arith.constant 8.000000e+00 : f32
    %broadcast_in_dim3A_23 = vector.broadcast %broadcast_in_dim3A_22 : f32 to vector<16xf32>
    %broadcast_in_dim3A_24 = arith.constant 9.000000e+00 : f32
    %broadcast_in_dim3A_25 = vector.broadcast %broadcast_in_dim3A_24 : f32 to vector<16xf32>
    %broadcast_in_dim3A_26 = arith.constant 1.000000e+01 : f32
    %broadcast_in_dim3A_27 = vector.broadcast %broadcast_in_dim3A_26 : f32 to vector<16xf32>
    %broadcast_in_dim3A_28 = arith.constant 1.100000e+01 : f32
    %broadcast_in_dim3A_29 = vector.broadcast %broadcast_in_dim3A_28 : f32 to vector<16xf32>
    %dma_start3A = arith.constant 0 : i32
    %dma_start3A_30 = arith.constant 0 : i32
    %dma_start3A_31 = arith.constant 0 : i32
    %dma_start3A_32 = tpu.memref_slice %arg4[%dma_start3A, %dma_start3A_30, %dma_start3A_31] : memref<16x16x128xf32, #tpu.memory_space<vmem>> -> memref<16x8x128xf32, #tpu.memory_space<vmem>>
    %dma_start3A_33 = arith.constant 0 : i32
    %dma_start3A_34 = arith.constant 0 : i32
    %dma_start3A_35 = tpu.memref_slice %arg2[%dma_start3A_33, %dma_start3A_34, %mul3A_2] : memref<16x16x4096xf32, #tpu.memory_space<hbm>> -> memref<16x8x128xf32, #tpu.memory_space<hbm>>
    %dma_start3A_36 = arith.constant 0 : i32
    %dma_start3A_37 = arith.constant 0 : i32
    %dma_start3A_38 = arith.constant 0 : i32
    %dma_start3A_39 = tpu.memref_slice %arg4[%dma_start3A_36, %dma_start3A_37, %dma_start3A_38] : memref<16x16x128xf32, #tpu.memory_space<vmem>> -> memref<16x8x128xf32, #tpu.memory_space<vmem>>
    %dma_start3A_40 = arith.constant 0 : i32
    %dma_start3A_41 = arith.constant 0 : i32
    %dma_start3A_42 = tpu.memref_slice %arg2[%dma_start3A_40, %dma_start3A_41, %mul3A_2] : memref<16x16x4096xf32, #tpu.memory_space<hbm>> -> memref<16x8x128xf32, #tpu.memory_space<hbm>>
    tpu.enqueue_dma source(%dma_start3A_42 : memref<16x8x128xf32, #tpu.memory_space<hbm>>) target(%dma_start3A_39 : memref<16x8x128xf32, #tpu.memory_space<vmem>>) target_semaphore(%arg6 : memref<!tpu.dma_semaphore, #tpu.memory_space<semaphore_mem>>)
    %dma_start3A_43 = arith.constant 0 : i32
    %dma_start3A_44 = arith.constant 8 : i32
    %dma_start3A_45 = arith.constant 0 : i32
    %dma_start3A_46 = tpu.memref_slice %arg4[%dma_start3A_43, %dma_start3A_44, %dma_start3A_45] : memref<16x16x128xf32, #tpu.memory_space<vmem>> -> memref<16x8x128xf32, #tpu.memory_space<vmem>>
    %dma_start3A_47 = arith.constant 0 : i32
    %dma_start3A_48 = arith.constant 8 : i32
    %dma_start3A_49 = tpu.memref_slice %arg2[%dma_start3A_47, %dma_start3A_48, %mul3A_2] : memref<16x16x4096xf32, #tpu.memory_space<hbm>> -> memref<16x8x128xf32, #tpu.memory_space<hbm>>
    %dma_start3A_50 = arith.constant 0 : i32
    %dma_start3A_51 = arith.constant 8 : i32
    %dma_start3A_52 = arith.constant 0 : i32
    %dma_start3A_53 = tpu.memref_slice %arg4[%dma_start3A_50, %dma_start3A_51, %dma_start3A_52] : memref<16x16x128xf32, #tpu.memory_space<vmem>> -> memref<16x8x128xf32, #tpu.memory_space<vmem>>
    %dma_start3A_54 = arith.constant 0 : i32
    %dma_start3A_55 = arith.constant 8 : i32
    %dma_start3A_56 = tpu.memref_slice %arg2[%dma_start3A_54, %dma_start3A_55, %mul3A_2] : memref<16x16x4096xf32, #tpu.memory_space<hbm>> -> memref<16x8x128xf32, #tpu.memory_space<hbm>>
    tpu.enqueue_dma source(%dma_start3A_56 : memref<16x8x128xf32, #tpu.memory_space<hbm>>) target(%dma_start3A_53 : memref<16x8x128xf32, #tpu.memory_space<vmem>>) target_semaphore(%arg7 : memref<!tpu.dma_semaphore, #tpu.memory_space<semaphore_mem>>)
    %dma_wait3A = arith.constant 0 : i32
    %dma_wait3A_57 = arith.constant 0 : i32
    %dma_wait3A_58 = arith.constant 0 : i32
    %dma_wait3A_59 = tpu.memref_slice %arg4[%dma_wait3A, %dma_wait3A_57, %dma_wait3A_58] : memref<16x16x128xf32, #tpu.memory_space<vmem>> -> memref<16x8x128xf32, #tpu.memory_space<vmem>>
    %dma_wait3A_60 = arith.constant 0 : i32
    %dma_wait3A_61 = arith.constant 0 : i32
    %dma_wait3A_62 = tpu.memref_slice %arg2[%dma_wait3A_60, %dma_wait3A_61, %mul3A_2] : memref<16x16x4096xf32, #tpu.memory_space<hbm>> -> memref<16x8x128xf32, #tpu.memory_space<hbm>>
    %dma_wait3A_63 = arith.constant 0 : i32
    %dma_wait3A_64 = arith.constant 0 : i32
    %dma_wait3A_65 = arith.constant 0 : i32
    %dma_wait3A_66 = tpu.memref_slice %arg4[%dma_wait3A_63, %dma_wait3A_64, %dma_wait3A_65] : memref<16x16x128xf32, #tpu.memory_space<vmem>> -> memref<16x8x128xf32, #tpu.memory_space<vmem>>
    %dma_wait3A_67 = arith.constant 0 : i32
    %dma_wait3A_68 = arith.constant 0 : i32
    %dma_wait3A_69 = tpu.memref_slice %arg2[%dma_wait3A_67, %dma_wait3A_68, %mul3A_2] : memref<16x16x4096xf32, #tpu.memory_space<hbm>> -> memref<16x8x128xf32, #tpu.memory_space<hbm>>
    tpu.wait_dma2 semaphore(%arg6 : memref<!tpu.dma_semaphore, #tpu.memory_space<semaphore_mem>>) src(%dma_wait3A_69 : memref<16x8x128xf32, #tpu.memory_space<hbm>>) dst(%dma_wait3A_66 : memref<16x8x128xf32, #tpu.memory_space<vmem>>)
    %parallel_loop3A = arith.constant 0 : i32
    %parallel_loop3A_70 = arith.constant 128 : i32
    %parallel_loop3A_71 = arith.constant 1 : i32
    scf.for %parallel_loop3A_238 = %parallel_loop3A to %parallel_loop3A_70 step %parallel_loop3A_71  : i32 {
      %parallel_loop3A_239 = arith.constant 3 : i32
      %parallel_loop3A_240 = arith.shrsi %parallel_loop3A_238, %parallel_loop3A_239 : i32
      %parallel_loop3A_241 = arith.constant 7 : i32
      %parallel_loop3A_242 = arith.andi %parallel_loop3A_238, %parallel_loop3A_241 : i32
      %parallel_loop3A_243 = arith.constant 16 : i32
      %parallel_loop3A_244 = arith.muli %parallel_loop3A_242, %parallel_loop3A_243 : i32
      %parallel_loop3A_245 = arith.constant 0 : i32
      %parallel_loop3A_246 = arith.index_cast %parallel_loop3A_240 : i32 to index
      %parallel_loop3A_247 = arith.index_cast %parallel_loop3A_245 : i32 to index
      %parallel_loop3A_248 = arith.index_cast %parallel_loop3A_244 : i32 to index
      %parallel_loop3A_249 = tpu.vector_load %arg4[%parallel_loop3A_246, %parallel_loop3A_247, %parallel_loop3A_248] {strides = array<i32>} : memref<16x16x128xf32, #tpu.memory_space<vmem>>, vector<16xf32>,
      %parallel_loop3A_250 = arith.cmpf oeq, %parallel_loop3A_249, %broadcast_in_dim3A_7 : vector<16xf32>
      %parallel_loop3A_251 = arith.select %parallel_loop3A_250, %broadcast_in_dim3A_3, %broadcast_in_dim3A_5 : vector<16xi1>, vector<16xf32>
      %parallel_loop3A_252 = arith.constant 0 : i32
      %parallel_loop3A_253 = arith.index_cast %parallel_loop3A_252 : i32 to index
      %parallel_loop3A_254 = arith.index_cast %parallel_loop3A_240 : i32 to index
      %parallel_loop3A_255 = arith.index_cast %parallel_loop3A_244 : i32 to index
      %parallel_loop3A_256 = tpu.vector_load %arg5[%parallel_loop3A_253, %parallel_loop3A_254, %parallel_loop3A_255] {strides = array<i32>} : memref<27x16x128xf32, #tpu.memory_space<vmem>>, vector<16xf32>,
      tpu.vector_store %arg5[%parallel_loop3A_253, %parallel_loop3A_254, %parallel_loop3A_255], %parallel_loop3A_251 {strides = array<i32>} : memref<27x16x128xf32, #tpu.memory_space<vmem>>, vector<16xf32>,
      %parallel_loop3A_257 = arith.cmpf oeq, %parallel_loop3A_249, %broadcast_in_dim3A_9 : vector<16xf32>
      %parallel_loop3A_258 = arith.select %parallel_loop3A_257, %broadcast_in_dim3A_3, %broadcast_in_dim3A_5 : vector<16xi1>, vector<16xf32>
      %parallel_loop3A_259 = arith.constant 1 : i32
      %parallel_loop3A_260 = arith.index_cast %parallel_loop3A_259 : i32 to index
      %parallel_loop3A_261 = arith.index_cast %parallel_loop3A_240 : i32 to index
      %parallel_loop3A_262 = arith.index_cast %parallel_loop3A_244 : i32 to index
      %parallel_loop3A_263 = tpu.vector_load %arg5[%parallel_loop3A_260, %parallel_loop3A_261, %parallel_loop3A_262] {strides = array<i32>} : memref<27x16x128xf32, #tpu.memory_space<vmem>>, vector<16xf32>,
      tpu.vector_store %arg5[%parallel_loop3A_260, %parallel_loop3A_261, %parallel_loop3A_262], %parallel_loop3A_258 {strides = array<i32>} : memref<27x16x128xf32, #tpu.memory_space<vmem>>, vector<16xf32>,
      %parallel_loop3A_264 = arith.cmpf oeq, %parallel_loop3A_249, %broadcast_in_dim3A_11 : vector<16xf32>
      %parallel_loop3A_265 = arith.select %parallel_loop3A_264, %broadcast_in_dim3A_3, %broadcast_in_dim3A_5 : vector<16xi1>, vector<16xf32>
      %parallel_loop3A_266 = arith.constant 2 : i32
      %parallel_loop3A_267 = arith.index_cast %parallel_loop3A_266 : i32 to index
      %parallel_loop3A_268 = arith.index_cast %parallel_loop3A_240 : i32 to index
      %parallel_loop3A_269 = arith.index_cast %parallel_loop3A_244 : i32 to index
      %parallel_loop3A_270 = tpu.vector_load %arg5[%parallel_loop3A_267, %parallel_loop3A_268, %parallel_loop3A_269] {strides = array<i32>} : memref<27x16x128xf32, #tpu.memory_space<vmem>>, vector<16xf32>,
      tpu.vector_store %arg5[%parallel_loop3A_267, %parallel_loop3A_268, %parallel_loop3A_269], %parallel_loop3A_265 {strides = array<i32>} : memref<27x16x128xf32, #tpu.memory_space<vmem>>, vector<16xf32>,
      %parallel_loop3A_271 = arith.cmpf oeq, %parallel_loop3A_249, %broadcast_in_dim3A_13 : vector<16xf32>
      %parallel_loop3A_272 = arith.select %parallel_loop3A_271, %broadcast_in_dim3A_3, %broadcast_in_dim3A_5 : vector<16xi1>, vector<16xf32>
      %parallel_loop3A_273 = arith.constant 3 : i32
      %parallel_loop3A_274 = arith.index_cast %parallel_loop3A_273 : i32 to index
      %parallel_loop3A_275 = arith.index_cast %parallel_loop3A_240 : i32 to index
      %parallel_loop3A_276 = arith.index_cast %parallel_loop3A_244 : i32 to index
      %parallel_loop3A_277 = tpu.vector_load %arg5[%parallel_loop3A_274, %parallel_loop3A_275, %parallel_loop3A_276] {strides = array<i32>} : memref<27x16x128xf32, #tpu.memory_space<vmem>>, vector<16xf32>,
      tpu.vector_store %arg5[%parallel_loop3A_274, %parallel_loop3A_275, %parallel_loop3A_276], %parallel_loop3A_272 {strides = array<i32>} : memref<27x16x128xf32, #tpu.memory_space<vmem>>, vector<16xf32>,
    } {sc.loop_unroll_factor = 4 : i64, sc.parallel_access}
    %dma_start3A_72 = arith.constant 0 : i32
    %dma_start3A_73 = arith.constant 0 : i32
    %dma_start3A_74 = arith.constant 0 : i32
    %dma_start3A_75 = tpu.memref_slice %arg5[%dma_start3A_72, %dma_start3A_73, %dma_start3A_74] : memref<27x16x128xf32, #tpu.memory_space<vmem>> -> memref<4x16x128xf32, #tpu.memory_space<vmem>>
    %dma_start3A_76 = arith.constant 0 : i32
    %dma_start3A_77 = arith.constant 0 : i32
    %dma_start3A_78 = tpu.memref_slice %arg3[%dma_start3A_76, %dma_start3A_77, %mul3A_2] : memref<27x16x4096xf32, #tpu.memory_space<hbm>> -> memref<4x16x128xf32, #tpu.memory_space<hbm>>
    %dma_start3A_79 = arith.constant 0 : i32
    %dma_start3A_80 = arith.constant 0 : i32
    %dma_start3A_81 = tpu.memref_slice %arg3[%dma_start3A_79, %dma_start3A_80, %mul3A_2] : memref<27x16x4096xf32, #tpu.memory_space<hbm>> -> memref<4x16x128xf32, #tpu.memory_space<hbm>>
    %dma_start3A_82 = arith.constant 0 : i32
    %dma_start3A_83 = arith.constant 0 : i32
    %dma_start3A_84 = arith.constant 0 : i32
    %dma_start3A_85 = tpu.memref_slice %arg5[%dma_start3A_82, %dma_start3A_83, %dma_start3A_84] : memref<27x16x128xf32, #tpu.memory_space<vmem>> -> memref<4x16x128xf32, #tpu.memory_space<vmem>>
    tpu.enqueue_dma source(%dma_start3A_85 : memref<4x16x128xf32, #tpu.memory_space<vmem>>) target(%dma_start3A_81 : memref<4x16x128xf32, #tpu.memory_space<hbm>>) target_semaphore(%arg8 : memref<!tpu.dma_semaphore, #tpu.memory_space<semaphore_mem>>)
    %parallel_loop3A_86 = arith.constant 0 : i32
    %parallel_loop3A_87 = arith.constant 128 : i32
    %parallel_loop3A_88 = arith.constant 1 : i32
    scf.for %parallel_loop3A_238 = %parallel_loop3A_86 to %parallel_loop3A_87 step %parallel_loop3A_88  : i32 {
      %parallel_loop3A_239 = arith.constant 3 : i32
      %parallel_loop3A_240 = arith.shrsi %parallel_loop3A_238, %parallel_loop3A_239 : i32
      %parallel_loop3A_241 = arith.constant 7 : i32
      %parallel_loop3A_242 = arith.andi %parallel_loop3A_238, %parallel_loop3A_241 : i32
      %parallel_loop3A_243 = arith.constant 16 : i32
      %parallel_loop3A_244 = arith.muli %parallel_loop3A_242, %parallel_loop3A_243 : i32
      %parallel_loop3A_245 = arith.constant 0 : i32
      %parallel_loop3A_246 = arith.index_cast %parallel_loop3A_240 : i32 to index
      %parallel_loop3A_247 = arith.index_cast %parallel_loop3A_245 : i32 to index
      %parallel_loop3A_248 = arith.index_cast %parallel_loop3A_244 : i32 to index
      %parallel_loop3A_249 = tpu.vector_load %arg4[%parallel_loop3A_246, %parallel_loop3A_247, %parallel_loop3A_248] {strides = array<i32>} : memref<16x16x128xf32, #tpu.memory_space<vmem>>, vector<16xf32>,
      %parallel_loop3A_250 = arith.cmpf oeq, %parallel_loop3A_249, %broadcast_in_dim3A_15 : vector<16xf32>
      %parallel_loop3A_251 = arith.select %parallel_loop3A_250, %broadcast_in_dim3A_3, %broadcast_in_dim3A_5 : vector<16xi1>, vector<16xf32>
      %parallel_loop3A_252 = arith.constant 4 : i32
      %parallel_loop3A_253 = arith.index_cast %parallel_loop3A_252 : i32 to index
      %parallel_loop3A_254 = arith.index_cast %parallel_loop3A_240 : i32 to index
      %parallel_loop3A_255 = arith.index_cast %parallel_loop3A_244 : i32 to index
      %parallel_loop3A_256 = tpu.vector_load %arg5[%parallel_loop3A_253, %parallel_loop3A_254, %parallel_loop3A_255] {strides = array<i32>} : memref<27x16x128xf32, #tpu.memory_space<vmem>>, vector<16xf32>,
      tpu.vector_store %arg5[%parallel_loop3A_253, %parallel_loop3A_254, %parallel_loop3A_255], %parallel_loop3A_251 {strides = array<i32>} : memref<27x16x128xf32, #tpu.memory_space<vmem>>, vector<16xf32>,
      %parallel_loop3A_257 = arith.cmpf oeq, %parallel_loop3A_249, %broadcast_in_dim3A_17 : vector<16xf32>
      %parallel_loop3A_258 = arith.select %parallel_loop3A_257, %broadcast_in_dim3A_3, %broadcast_in_dim3A_5 : vector<16xi1>, vector<16xf32>
      %parallel_loop3A_259 = arith.constant 5 : i32
      %parallel_loop3A_260 = arith.index_cast %parallel_loop3A_259 : i32 to index
      %parallel_loop3A_261 = arith.index_cast %parallel_loop3A_240 : i32 to index
      %parallel_loop3A_262 = arith.index_cast %parallel_loop3A_244 : i32 to index
      %parallel_loop3A_263 = tpu.vector_load %arg5[%parallel_loop3A_260, %parallel_loop3A_261, %parallel_loop3A_262] {strides = array<i32>} : memref<27x16x128xf32, #tpu.memory_space<vmem>>, vector<16xf32>,
      tpu.vector_store %arg5[%parallel_loop3A_260, %parallel_loop3A_261, %parallel_loop3A_262], %parallel_loop3A_258 {strides = array<i32>} : memref<27x16x128xf32, #tpu.memory_space<vmem>>, vector<16xf32>,
      %parallel_loop3A_264 = arith.cmpf oeq, %parallel_loop3A_249, %broadcast_in_dim3A_19 : vector<16xf32>
      %parallel_loop3A_265 = arith.select %parallel_loop3A_264, %broadcast_in_dim3A_3, %broadcast_in_dim3A_5 : vector<16xi1>, vector<16xf32>
      %parallel_loop3A_266 = arith.constant 6 : i32
      %parallel_loop3A_267 = arith.index_cast %parallel_loop3A_266 : i32 to index
      %parallel_loop3A_268 = arith.index_cast %parallel_loop3A_240 : i32 to index
      %parallel_loop3A_269 = arith.index_cast %parallel_loop3A_244 : i32 to index
      %parallel_loop3A_270 = tpu.vector_load %arg5[%parallel_loop3A_267, %parallel_loop3A_268, %parallel_loop3A_269] {strides = array<i32>} : memref<27x16x128xf32, #tpu.memory_space<vmem>>, vector<16xf32>,
      tpu.vector_store %arg5[%parallel_loop3A_267, %parallel_loop3A_268, %parallel_loop3A_269], %parallel_loop3A_265 {strides = array<i32>} : memref<27x16x128xf32, #tpu.memory_space<vmem>>, vector<16xf32>,
      %parallel_loop3A_271 = arith.cmpf oeq, %parallel_loop3A_249, %broadcast_in_dim3A_21 : vector<16xf32>
      %parallel_loop3A_272 = arith.select %parallel_loop3A_271, %broadcast_in_dim3A_3, %broadcast_in_dim3A_5 : vector<16xi1>, vector<16xf32>
      %parallel_loop3A_273 = arith.constant 7 : i32
      %parallel_loop3A_274 = arith.index_cast %parallel_loop3A_273 : i32 to index
      %parallel_loop3A_275 = arith.index_cast %parallel_loop3A_240 : i32 to index
      %parallel_loop3A_276 = arith.index_cast %parallel_loop3A_244 : i32 to index
      %parallel_loop3A_277 = tpu.vector_load %arg5[%parallel_loop3A_274, %parallel_loop3A_275, %parallel_loop3A_276] {strides = array<i32>} : memref<27x16x128xf32, #tpu.memory_space<vmem>>, vector<16xf32>,
      tpu.vector_store %arg5[%parallel_loop3A_274, %parallel_loop3A_275, %parallel_loop3A_276], %parallel_loop3A_272 {strides = array<i32>} : memref<27x16x128xf32, #tpu.memory_space<vmem>>, vector<16xf32>,
      %parallel_loop3A_278 = arith.cmpf oeq, %parallel_loop3A_249, %broadcast_in_dim3A_23 : vector<16xf32>
      %parallel_loop3A_279 = arith.select %parallel_loop3A_278, %broadcast_in_dim3A_3, %broadcast_in_dim3A_5 : vector<16xi1>, vector<16xf32>
      %parallel_loop3A_280 = arith.constant 8 : i32
      %parallel_loop3A_281 = arith.index_cast %parallel_loop3A_280 : i32 to index
      %parallel_loop3A_282 = arith.index_cast %parallel_loop3A_240 : i32 to index
      %parallel_loop3A_283 = arith.index_cast %parallel_loop3A_244 : i32 to index
      %parallel_loop3A_284 = tpu.vector_load %arg5[%parallel_loop3A_281, %parallel_loop3A_282, %parallel_loop3A_283] {strides = array<i32>} : memref<27x16x128xf32, #tpu.memory_space<vmem>>, vector<16xf32>,
      tpu.vector_store %arg5[%parallel_loop3A_281, %parallel_loop3A_282, %parallel_loop3A_283], %parallel_loop3A_279 {strides = array<i32>} : memref<27x16x128xf32, #tpu.memory_space<vmem>>, vector<16xf32>,
      %parallel_loop3A_285 = arith.cmpf oeq, %parallel_loop3A_249, %broadcast_in_dim3A_25 : vector<16xf32>
      %parallel_loop3A_286 = arith.select %parallel_loop3A_285, %broadcast_in_dim3A_3, %broadcast_in_dim3A_5 : vector<16xi1>, vector<16xf32>
      %parallel_loop3A_287 = arith.constant 9 : i32
      %parallel_loop3A_288 = arith.index_cast %parallel_loop3A_287 : i32 to index
      %parallel_loop3A_289 = arith.index_cast %parallel_loop3A_240 : i32 to index
      %parallel_loop3A_290 = arith.index_cast %parallel_loop3A_244 : i32 to index
      %parallel_loop3A_291 = tpu.vector_load %arg5[%parallel_loop3A_288, %parallel_loop3A_289, %parallel_loop3A_290] {strides = array<i32>} : memref<27x16x128xf32, #tpu.memory_space<vmem>>, vector<16xf32>,
      tpu.vector_store %arg5[%parallel_loop3A_288, %parallel_loop3A_289, %parallel_loop3A_290], %parallel_loop3A_286 {strides = array<i32>} : memref<27x16x128xf32, #tpu.memory_space<vmem>>, vector<16xf32>,
      %parallel_loop3A_292 = arith.cmpf oeq, %parallel_loop3A_249, %broadcast_in_dim3A_27 : vector<16xf32>
      %parallel_loop3A_293 = arith.select %parallel_loop3A_292, %broadcast_in_dim3A_3, %broadcast_in_dim3A_5 : vector<16xi1>, vector<16xf32>
      %parallel_loop3A_294 = arith.constant 10 : i32
      %parallel_loop3A_295 = arith.index_cast %parallel_loop3A_294 : i32 to index
      %parallel_loop3A_296 = arith.index_cast %parallel_loop3A_240 : i32 to index
      %parallel_loop3A_297 = arith.index_cast %parallel_loop3A_244 : i32 to index
      %parallel_loop3A_298 = tpu.vector_load %arg5[%parallel_loop3A_295, %parallel_loop3A_296, %parallel_loop3A_297] {strides = array<i32>} : memref<27x16x128xf32, #tpu.memory_space<vmem>>, vector<16xf32>,
      tpu.vector_store %arg5[%parallel_loop3A_295, %parallel_loop3A_296, %parallel_loop3A_297], %parallel_loop3A_293 {strides = array<i32>} : memref<27x16x128xf32, #tpu.memory_space<vmem>>, vector<16xf32>,
      %parallel_loop3A_299 = arith.cmpf oeq, %parallel_loop3A_249, %broadcast_in_dim3A_29 : vector<16xf32>
      %parallel_loop3A_300 = arith.select %parallel_loop3A_299, %broadcast_in_dim3A_3, %broadcast_in_dim3A_5 : vector<16xi1>, vector<16xf32>
      %parallel_loop3A_301 = arith.constant 11 : i32
      %parallel_loop3A_302 = arith.index_cast %parallel_loop3A_301 : i32 to index
      %parallel_loop3A_303 = arith.index_cast %parallel_loop3A_240 : i32 to index
      %parallel_loop3A_304 = arith.index_cast %parallel_loop3A_244 : i32 to index
      %parallel_loop3A_305 = tpu.vector_load %arg5[%parallel_loop3A_302, %parallel_loop3A_303, %parallel_loop3A_304] {strides = array<i32>} : memref<27x16x128xf32, #tpu.memory_space<vmem>>, vector<16xf32>,
      tpu.vector_store %arg5[%parallel_loop3A_302, %parallel_loop3A_303, %parallel_loop3A_304], %parallel_loop3A_300 {strides = array<i32>} : memref<27x16x128xf32, #tpu.memory_space<vmem>>, vector<16xf32>,
    } {sc.loop_unroll_factor = 4 : i64, sc.parallel_access}
    %dma_start3A_89 = arith.constant 4 : i32
    %dma_start3A_90 = arith.constant 0 : i32
    %dma_start3A_91 = arith.constant 0 : i32
    %dma_start3A_92 = tpu.memref_slice %arg5[%dma_start3A_89, %dma_start3A_90, %dma_start3A_91] : memref<27x16x128xf32, #tpu.memory_space<vmem>> -> memref<8x16x128xf32, #tpu.memory_space<vmem>>
    %dma_start3A_93 = arith.constant 4 : i32
    %dma_start3A_94 = arith.constant 0 : i32
    %dma_start3A_95 = tpu.memref_slice %arg3[%dma_start3A_93, %dma_start3A_94, %mul3A_2] : memref<27x16x4096xf32, #tpu.memory_space<hbm>> -> memref<8x16x128xf32, #tpu.memory_space<hbm>>
    %dma_start3A_96 = arith.constant 4 : i32
    %dma_start3A_97 = arith.constant 0 : i32
    %dma_start3A_98 = tpu.memref_slice %arg3[%dma_start3A_96, %dma_start3A_97, %mul3A_2] : memref<27x16x4096xf32, #tpu.memory_space<hbm>> -> memref<8x16x128xf32, #tpu.memory_space<hbm>>
    %dma_start3A_99 = arith.constant 4 : i32
    %dma_start3A_100 = arith.constant 0 : i32
    %dma_start3A_101 = arith.constant 0 : i32
    %dma_start3A_102 = tpu.memref_slice %arg5[%dma_start3A_99, %dma_start3A_100, %dma_start3A_101] : memref<27x16x128xf32, #tpu.memory_space<vmem>> -> memref<8x16x128xf32, #tpu.memory_space<vmem>>
    tpu.enqueue_dma source(%dma_start3A_102 : memref<8x16x128xf32, #tpu.memory_space<vmem>>) target(%dma_start3A_98 : memref<8x16x128xf32, #tpu.memory_space<hbm>>) target_semaphore(%arg8 : memref<!tpu.dma_semaphore, #tpu.memory_space<semaphore_mem>>)
    %parallel_loop3A_103 = arith.constant 0 : i32
    %parallel_loop3A_104 = arith.constant 896 : i32
    %parallel_loop3A_105 = arith.constant 1 : i32
    scf.for %parallel_loop3A_238 = %parallel_loop3A_103 to %parallel_loop3A_104 step %parallel_loop3A_105  : i32 {
      %parallel_loop3A_239 = arith.constant 7 : i32
      %parallel_loop3A_240 = arith.shrsi %parallel_loop3A_238, %parallel_loop3A_239 : i32
      %parallel_loop3A_241 = arith.constant 0 : i32
      %parallel_loop3A_242 = arith.addi %parallel_loop3A_241, %parallel_loop3A_240 : i32
      %parallel_loop3A_243 = arith.constant 3 : i32
      %parallel_loop3A_244 = arith.shrsi %parallel_loop3A_238, %parallel_loop3A_243 : i32
      %parallel_loop3A_245 = arith.constant 15 : i32
      %parallel_loop3A_246 = arith.andi %parallel_loop3A_244, %parallel_loop3A_245 : i32
      %parallel_loop3A_247 = arith.constant 7 : i32
      %parallel_loop3A_248 = arith.andi %parallel_loop3A_238, %parallel_loop3A_247 : i32
      %parallel_loop3A_249 = arith.constant 16 : i32
      %parallel_loop3A_250 = arith.muli %parallel_loop3A_248, %parallel_loop3A_249 : i32
      %parallel_loop3A_251 = arith.constant 1 : i32
      %parallel_loop3A_252 = arith.addi %parallel_loop3A_251, %parallel_loop3A_242 : i32
      %parallel_loop3A_253 = arith.index_cast %parallel_loop3A_246 : i32 to index
      %parallel_loop3A_254 = arith.index_cast %parallel_loop3A_252 : i32 to index
      %parallel_loop3A_255 = arith.index_cast %parallel_loop3A_250 : i32 to index
      %parallel_loop3A_256 = tpu.vector_load %arg4[%parallel_loop3A_253, %parallel_loop3A_254, %parallel_loop3A_255] {strides = array<i32>} : memref<16x16x128xf32, #tpu.memory_space<vmem>>, vector<16xf32>,
      %parallel_loop3A_257 = arith.constant 12 : i32
      %parallel_loop3A_258 = arith.addi %parallel_loop3A_257, %parallel_loop3A_242 : i32
      %parallel_loop3A_259 = arith.index_cast %parallel_loop3A_258 : i32 to index
      %parallel_loop3A_260 = arith.index_cast %parallel_loop3A_246 : i32 to index
      %parallel_loop3A_261 = arith.index_cast %parallel_loop3A_250 : i32 to index
      %parallel_loop3A_262 = tpu.vector_load %arg5[%parallel_loop3A_259, %parallel_loop3A_260, %parallel_loop3A_261] {strides = array<i32>} : memref<27x16x128xf32, #tpu.memory_space<vmem>>, vector<16xf32>,
      tpu.vector_store %arg5[%parallel_loop3A_259, %parallel_loop3A_260, %parallel_loop3A_261], %parallel_loop3A_256 {strides = array<i32>} : memref<27x16x128xf32, #tpu.memory_space<vmem>>, vector<16xf32>,
    } {sc.loop_unroll_factor = 8 : i64, sc.parallel_access}
    %dma_start3A_106 = arith.constant 12 : i32
    %dma_start3A_107 = arith.constant 0 : i32
    %dma_start3A_108 = arith.constant 0 : i32
    %dma_start3A_109 = tpu.memref_slice %arg5[%dma_start3A_106, %dma_start3A_107, %dma_start3A_108] : memref<27x16x128xf32, #tpu.memory_space<vmem>> -> memref<7x16x128xf32, #tpu.memory_space<vmem>>
    %dma_start3A_110 = arith.constant 12 : i32
    %dma_start3A_111 = arith.constant 0 : i32
    %dma_start3A_112 = tpu.memref_slice %arg3[%dma_start3A_110, %dma_start3A_111, %mul3A_2] : memref<27x16x4096xf32, #tpu.memory_space<hbm>> -> memref<7x16x128xf32, #tpu.memory_space<hbm>>
    %dma_start3A_113 = arith.constant 12 : i32
    %dma_start3A_114 = arith.constant 0 : i32
    %dma_start3A_115 = tpu.memref_slice %arg3[%dma_start3A_113, %dma_start3A_114, %mul3A_2] : memref<27x16x4096xf32, #tpu.memory_space<hbm>> -> memref<7x16x128xf32, #tpu.memory_space<hbm>>
    %dma_start3A_116 = arith.constant 12 : i32
    %dma_start3A_117 = arith.constant 0 : i32
    %dma_start3A_118 = arith.constant 0 : i32
    %dma_start3A_119 = tpu.memref_slice %arg5[%dma_start3A_116, %dma_start3A_117, %dma_start3A_118] : memref<27x16x128xf32, #tpu.memory_space<vmem>> -> memref<7x16x128xf32, #tpu.memory_space<vmem>>
    tpu.enqueue_dma source(%dma_start3A_119 : memref<7x16x128xf32, #tpu.memory_space<vmem>>) target(%dma_start3A_115 : memref<7x16x128xf32, #tpu.memory_space<hbm>>) target_semaphore(%arg8 : memref<!tpu.dma_semaphore, #tpu.memory_space<semaphore_mem>>)
    %dma_wait3A_120 = arith.constant 0 : i32
    %dma_wait3A_121 = arith.constant 8 : i32
    %dma_wait3A_122 = arith.constant 0 : i32
    %dma_wait3A_123 = tpu.memref_slice %arg4[%dma_wait3A_120, %dma_wait3A_121, %dma_wait3A_122] : memref<16x16x128xf32, #tpu.memory_space<vmem>> -> memref<16x8x128xf32, #tpu.memory_space<vmem>>
    %dma_wait3A_124 = arith.constant 0 : i32
    %dma_wait3A_125 = arith.constant 8 : i32
    %dma_wait3A_126 = tpu.memref_slice %arg2[%dma_wait3A_124, %dma_wait3A_125, %mul3A_2] : memref<16x16x4096xf32, #tpu.memory_space<hbm>> -> memref<16x8x128xf32, #tpu.memory_space<hbm>>
    %dma_wait3A_127 = arith.constant 0 : i32
    %dma_wait3A_128 = arith.constant 8 : i32
    %dma_wait3A_129 = arith.constant 0 : i32
    %dma_wait3A_130 = tpu.memref_slice %arg4[%dma_wait3A_127, %dma_wait3A_128, %dma_wait3A_129] : memref<16x16x128xf32, #tpu.memory_space<vmem>> -> memref<16x8x128xf32, #tpu.memory_space<vmem>>
    %dma_wait3A_131 = arith.constant 0 : i32
    %dma_wait3A_132 = arith.constant 8 : i32
    %dma_wait3A_133 = tpu.memref_slice %arg2[%dma_wait3A_131, %dma_wait3A_132, %mul3A_2] : memref<16x16x4096xf32, #tpu.memory_space<hbm>> -> memref<16x8x128xf32, #tpu.memory_space<hbm>>
    tpu.wait_dma2 semaphore(%arg7 : memref<!tpu.dma_semaphore, #tpu.memory_space<semaphore_mem>>) src(%dma_wait3A_133 : memref<16x8x128xf32, #tpu.memory_space<hbm>>) dst(%dma_wait3A_130 : memref<16x8x128xf32, #tpu.memory_space<vmem>>)
    %parallel_loop3A_134 = arith.constant 0 : i32
    %parallel_loop3A_135 = arith.constant 512 : i32
    %parallel_loop3A_136 = arith.constant 1 : i32
    scf.for %parallel_loop3A_238 = %parallel_loop3A_134 to %parallel_loop3A_135 step %parallel_loop3A_136  : i32 {
      %parallel_loop3A_239 = arith.constant 7 : i32
      %parallel_loop3A_240 = arith.shrsi %parallel_loop3A_238, %parallel_loop3A_239 : i32
      %parallel_loop3A_241 = arith.constant 7 : i32
      %parallel_loop3A_242 = arith.addi %parallel_loop3A_241, %parallel_loop3A_240 : i32
      %parallel_loop3A_243 = arith.constant 3 : i32
      %parallel_loop3A_244 = arith.shrsi %parallel_loop3A_238, %parallel_loop3A_243 : i32
      %parallel_loop3A_245 = arith.constant 15 : i32
      %parallel_loop3A_246 = arith.andi %parallel_loop3A_244, %parallel_loop3A_245 : i32
      %parallel_loop3A_247 = arith.constant 7 : i32
      %parallel_loop3A_248 = arith.andi %parallel_loop3A_238, %parallel_loop3A_247 : i32
      %parallel_loop3A_249 = arith.constant 16 : i32
      %parallel_loop3A_250 = arith.muli %parallel_loop3A_248, %parallel_loop3A_249 : i32
      %parallel_loop3A_251 = arith.constant 1 : i32
      %parallel_loop3A_252 = arith.addi %parallel_loop3A_251, %parallel_loop3A_242 : i32
      %parallel_loop3A_253 = arith.index_cast %parallel_loop3A_246 : i32 to index
      %parallel_loop3A_254 = arith.index_cast %parallel_loop3A_252 : i32 to index
      %parallel_loop3A_255 = arith.index_cast %parallel_loop3A_250 : i32 to index
      %parallel_loop3A_256 = tpu.vector_load %arg4[%parallel_loop3A_253, %parallel_loop3A_254, %parallel_loop3A_255] {strides = array<i32>} : memref<16x16x128xf32, #tpu.memory_space<vmem>>, vector<16xf32>,
      %parallel_loop3A_257 = arith.constant 12 : i32
      %parallel_loop3A_258 = arith.addi %parallel_loop3A_257, %parallel_loop3A_242 : i32
      %parallel_loop3A_259 = arith.index_cast %parallel_loop3A_258 : i32 to index
      %parallel_loop3A_260 = arith.index_cast %parallel_loop3A_246 : i32 to index
      %parallel_loop3A_261 = arith.index_cast %parallel_loop3A_250 : i32 to index
      %parallel_loop3A_262 = tpu.vector_load %arg5[%parallel_loop3A_259, %parallel_loop3A_260, %parallel_loop3A_261] {strides = array<i32>} : memref<27x16x128xf32, #tpu.memory_space<vmem>>, vector<16xf32>,
      tpu.vector_store %arg5[%parallel_loop3A_259, %parallel_loop3A_260, %parallel_loop3A_261], %parallel_loop3A_256 {strides = array<i32>} : memref<27x16x128xf32, #tpu.memory_space<vmem>>, vector<16xf32>,
    } {sc.loop_unroll_factor = 8 : i64, sc.parallel_access}
    %dma_start3A_137 = arith.constant 19 : i32
    %dma_start3A_138 = arith.constant 0 : i32
    %dma_start3A_139 = arith.constant 0 : i32
    %dma_start3A_140 = tpu.memref_slice %arg5[%dma_start3A_137, %dma_start3A_138, %dma_start3A_139] : memref<27x16x128xf32, #tpu.memory_space<vmem>> -> memref<4x16x128xf32, #tpu.memory_space<vmem>>
    %dma_start3A_141 = arith.constant 19 : i32
    %dma_start3A_142 = arith.constant 0 : i32
    %dma_start3A_143 = tpu.memref_slice %arg3[%dma_start3A_141, %dma_start3A_142, %mul3A_2] : memref<27x16x4096xf32, #tpu.memory_space<hbm>> -> memref<4x16x128xf32, #tpu.memory_space<hbm>>
    %dma_start3A_144 = arith.constant 19 : i32
    %dma_start3A_145 = arith.constant 0 : i32
    %dma_start3A_146 = tpu.memref_slice %arg3[%dma_start3A_144, %dma_start3A_145, %mul3A_2] : memref<27x16x4096xf32, #tpu.memory_space<hbm>> -> memref<4x16x128xf32, #tpu.memory_space<hbm>>
    %dma_start3A_147 = arith.constant 19 : i32
    %dma_start3A_148 = arith.constant 0 : i32
    %dma_start3A_149 = arith.constant 0 : i32
    %dma_start3A_150 = tpu.memref_slice %arg5[%dma_start3A_147, %dma_start3A_148, %dma_start3A_149] : memref<27x16x128xf32, #tpu.memory_space<vmem>> -> memref<4x16x128xf32, #tpu.memory_space<vmem>>
    tpu.enqueue_dma source(%dma_start3A_150 : memref<4x16x128xf32, #tpu.memory_space<vmem>>) target(%dma_start3A_146 : memref<4x16x128xf32, #tpu.memory_space<hbm>>) target_semaphore(%arg8 : memref<!tpu.dma_semaphore, #tpu.memory_space<semaphore_mem>>)
    %parallel_loop3A_151 = arith.constant 0 : i32
    %parallel_loop3A_152 = arith.constant 512 : i32
    %parallel_loop3A_153 = arith.constant 1 : i32
    scf.for %parallel_loop3A_238 = %parallel_loop3A_151 to %parallel_loop3A_152 step %parallel_loop3A_153  : i32 {
      %parallel_loop3A_239 = arith.constant 7 : i32
      %parallel_loop3A_240 = arith.shrsi %parallel_loop3A_238, %parallel_loop3A_239 : i32
      %parallel_loop3A_241 = arith.constant 11 : i32
      %parallel_loop3A_242 = arith.addi %parallel_loop3A_241, %parallel_loop3A_240 : i32
      %parallel_loop3A_243 = arith.constant 3 : i32
      %parallel_loop3A_244 = arith.shrsi %parallel_loop3A_238, %parallel_loop3A_243 : i32
      %parallel_loop3A_245 = arith.constant 15 : i32
      %parallel_loop3A_246 = arith.andi %parallel_loop3A_244, %parallel_loop3A_245 : i32
      %parallel_loop3A_247 = arith.constant 7 : i32
      %parallel_loop3A_248 = arith.andi %parallel_loop3A_238, %parallel_loop3A_247 : i32
      %parallel_loop3A_249 = arith.constant 16 : i32
      %parallel_loop3A_250 = arith.muli %parallel_loop3A_248, %parallel_loop3A_249 : i32
      %parallel_loop3A_251 = arith.constant 1 : i32
      %parallel_loop3A_252 = arith.addi %parallel_loop3A_251, %parallel_loop3A_242 : i32
      %parallel_loop3A_253 = arith.index_cast %parallel_loop3A_246 : i32 to index
      %parallel_loop3A_254 = arith.index_cast %parallel_loop3A_252 : i32 to index
      %parallel_loop3A_255 = arith.index_cast %parallel_loop3A_250 : i32 to index
      %parallel_loop3A_256 = tpu.vector_load %arg4[%parallel_loop3A_253, %parallel_loop3A_254, %parallel_loop3A_255] {strides = array<i32>} : memref<16x16x128xf32, #tpu.memory_space<vmem>>, vector<16xf32>,
      %parallel_loop3A_257 = arith.constant 12 : i32
      %parallel_loop3A_258 = arith.addi %parallel_loop3A_257, %parallel_loop3A_242 : i32
      %parallel_loop3A_259 = arith.index_cast %parallel_loop3A_258 : i32 to index
      %parallel_loop3A_260 = arith.index_cast %parallel_loop3A_246 : i32 to index
      %parallel_loop3A_261 = arith.index_cast %parallel_loop3A_250 : i32 to index
      %parallel_loop3A_262 = tpu.vector_load %arg5[%parallel_loop3A_259, %parallel_loop3A_260, %parallel_loop3A_261] {strides = array<i32>} : memref<27x16x128xf32, #tpu.memory_space<vmem>>, vector<16xf32>,
      tpu.vector_store %arg5[%parallel_loop3A_259, %parallel_loop3A_260, %parallel_loop3A_261], %parallel_loop3A_256 {strides = array<i32>} : memref<27x16x128xf32, #tpu.memory_space<vmem>>, vector<16xf32>,
    } {sc.loop_unroll_factor = 8 : i64, sc.parallel_access}
    %dma_start3A_154 = arith.constant 23 : i32
    %dma_start3A_155 = arith.constant 0 : i32
    %dma_start3A_156 = arith.constant 0 : i32
    %dma_start3A_157 = tpu.memref_slice %arg5[%dma_start3A_154, %dma_start3A_155, %dma_start3A_156] : memref<27x16x128xf32, #tpu.memory_space<vmem>> -> memref<4x16x128xf32, #tpu.memory_space<vmem>>
    %dma_start3A_158 = arith.constant 23 : i32
    %dma_start3A_159 = arith.constant 0 : i32
    %dma_start3A_160 = tpu.memref_slice %arg3[%dma_start3A_158, %dma_start3A_159, %mul3A_2] : memref<27x16x4096xf32, #tpu.memory_space<hbm>> -> memref<4x16x128xf32, #tpu.memory_space<hbm>>
    %dma_start3A_161 = arith.constant 23 : i32
    %dma_start3A_162 = arith.constant 0 : i32
    %dma_start3A_163 = tpu.memref_slice %arg3[%dma_start3A_161, %dma_start3A_162, %mul3A_2] : memref<27x16x4096xf32, #tpu.memory_space<hbm>> -> memref<4x16x128xf32, #tpu.memory_space<hbm>>
    %dma_start3A_164 = arith.constant 23 : i32
    %dma_start3A_165 = arith.constant 0 : i32
    %dma_start3A_166 = arith.constant 0 : i32
    %dma_start3A_167 = tpu.memref_slice %arg5[%dma_start3A_164, %dma_start3A_165, %dma_start3A_166] : memref<27x16x128xf32, #tpu.memory_space<vmem>> -> memref<4x16x128xf32, #tpu.memory_space<vmem>>
    tpu.enqueue_dma source(%dma_start3A_167 : memref<4x16x128xf32, #tpu.memory_space<vmem>>) target(%dma_start3A_163 : memref<4x16x128xf32, #tpu.memory_space<hbm>>) target_semaphore(%arg8 : memref<!tpu.dma_semaphore, #tpu.memory_space<semaphore_mem>>)
    %dma_wait3A_168 = arith.constant 0 : i32
    %dma_wait3A_169 = arith.constant 0 : i32
    %dma_wait3A_170 = arith.constant 0 : i32
    %dma_wait3A_171 = tpu.memref_slice %arg5[%dma_wait3A_168, %dma_wait3A_169, %dma_wait3A_170] : memref<27x16x128xf32, #tpu.memory_space<vmem>> -> memref<4x16x128xf32, #tpu.memory_space<vmem>>
    %dma_wait3A_172 = arith.constant 0 : i32
    %dma_wait3A_173 = arith.constant 0 : i32
    %dma_wait3A_174 = tpu.memref_slice %arg3[%dma_wait3A_172, %dma_wait3A_173, %mul3A_2] : memref<27x16x4096xf32, #tpu.memory_space<hbm>> -> memref<4x16x128xf32, #tpu.memory_space<hbm>>
    %dma_wait3A_175 = arith.constant 0 : i32
    %dma_wait3A_176 = arith.constant 0 : i32
    %dma_wait3A_177 = tpu.memref_slice %arg3[%dma_wait3A_175, %dma_wait3A_176, %mul3A_2] : memref<27x16x4096xf32, #tpu.memory_space<hbm>> -> memref<4x16x128xf32, #tpu.memory_space<hbm>>
    %dma_wait3A_178 = arith.constant 0 : i32
    %dma_wait3A_179 = arith.constant 0 : i32
    %dma_wait3A_180 = arith.constant 0 : i32
    %dma_wait3A_181 = tpu.memref_slice %arg5[%dma_wait3A_178, %dma_wait3A_179, %dma_wait3A_180] : memref<27x16x128xf32, #tpu.memory_space<vmem>> -> memref<4x16x128xf32, #tpu.memory_space<vmem>>
    tpu.wait_dma2 semaphore(%arg8 : memref<!tpu.dma_semaphore, #tpu.memory_space<semaphore_mem>>) src(%dma_wait3A_181 : memref<4x16x128xf32, #tpu.memory_space<vmem>>) dst(%dma_wait3A_177 : memref<4x16x128xf32, #tpu.memory_space<hbm>>)
    %dma_wait3A_182 = arith.constant 4 : i32
    %dma_wait3A_183 = arith.constant 0 : i32
    %dma_wait3A_184 = arith.constant 0 : i32
    %dma_wait3A_185 = tpu.memref_slice %arg5[%dma_wait3A_182, %dma_wait3A_183, %dma_wait3A_184] : memref<27x16x128xf32, #tpu.memory_space<vmem>> -> memref<8x16x128xf32, #tpu.memory_space<vmem>>
    %dma_wait3A_186 = arith.constant 4 : i32
    %dma_wait3A_187 = arith.constant 0 : i32
    %dma_wait3A_188 = tpu.memref_slice %arg3[%dma_wait3A_186, %dma_wait3A_187, %mul3A_2] : memref<27x16x4096xf32, #tpu.memory_space<hbm>> -> memref<8x16x128xf32, #tpu.memory_space<hbm>>
    %dma_wait3A_189 = arith.constant 4 : i32
    %dma_wait3A_190 = arith.constant 0 : i32
    %dma_wait3A_191 = tpu.memref_slice %arg3[%dma_wait3A_189, %dma_wait3A_190, %mul3A_2] : memref<27x16x4096xf32, #tpu.memory_space<hbm>> -> memref<8x16x128xf32, #tpu.memory_space<hbm>>
    %dma_wait3A_192 = arith.constant 4 : i32
    %dma_wait3A_193 = arith.constant 0 : i32
    %dma_wait3A_194 = arith.constant 0 : i32
    %dma_wait3A_195 = tpu.memref_slice %arg5[%dma_wait3A_192, %dma_wait3A_193, %dma_wait3A_194] : memref<27x16x128xf32, #tpu.memory_space<vmem>> -> memref<8x16x128xf32, #tpu.memory_space<vmem>>
    tpu.wait_dma2 semaphore(%arg8 : memref<!tpu.dma_semaphore, #tpu.memory_space<semaphore_mem>>) src(%dma_wait3A_195 : memref<8x16x128xf32, #tpu.memory_space<vmem>>) dst(%dma_wait3A_191 : memref<8x16x128xf32, #tpu.memory_space<hbm>>)
    %dma_wait3A_196 = arith.constant 12 : i32
    %dma_wait3A_197 = arith.constant 0 : i32
    %dma_wait3A_198 = arith.constant 0 : i32
    %dma_wait3A_199 = tpu.memref_slice %arg5[%dma_wait3A_196, %dma_wait3A_197, %dma_wait3A_198] : memref<27x16x128xf32, #tpu.memory_space<vmem>> -> memref<7x16x128xf32, #tpu.memory_space<vmem>>
    %dma_wait3A_200 = arith.constant 12 : i32
    %dma_wait3A_201 = arith.constant 0 : i32
    %dma_wait3A_202 = tpu.memref_slice %arg3[%dma_wait3A_200, %dma_wait3A_201, %mul3A_2] : memref<27x16x4096xf32, #tpu.memory_space<hbm>> -> memref<7x16x128xf32, #tpu.memory_space<hbm>>
    %dma_wait3A_203 = arith.constant 12 : i32
    %dma_wait3A_204 = arith.constant 0 : i32
    %dma_wait3A_205 = tpu.memref_slice %arg3[%dma_wait3A_203, %dma_wait3A_204, %mul3A_2] : memref<27x16x4096xf32, #tpu.memory_space<hbm>> -> memref<7x16x128xf32, #tpu.memory_space<hbm>>
    %dma_wait3A_206 = arith.constant 12 : i32
    %dma_wait3A_207 = arith.constant 0 : i32
    %dma_wait3A_208 = arith.constant 0 : i32
    %dma_wait3A_209 = tpu.memref_slice %arg5[%dma_wait3A_206, %dma_wait3A_207, %dma_wait3A_208] : memref<27x16x128xf32, #tpu.memory_space<vmem>> -> memref<7x16x128xf32, #tpu.memory_space<vmem>>
    tpu.wait_dma2 semaphore(%arg8 : memref<!tpu.dma_semaphore, #tpu.memory_space<semaphore_mem>>) src(%dma_wait3A_209 : memref<7x16x128xf32, #tpu.memory_space<vmem>>) dst(%dma_wait3A_205 : memref<7x16x128xf32, #tpu.memory_space<hbm>>)
    %dma_wait3A_210 = arith.constant 19 : i32
    %dma_wait3A_211 = arith.constant 0 : i32
    %dma_wait3A_212 = arith.constant 0 : i32
    %dma_wait3A_213 = tpu.memref_slice %arg5[%dma_wait3A_210, %dma_wait3A_211, %dma_wait3A_212] : memref<27x16x128xf32, #tpu.memory_space<vmem>> -> memref<4x16x128xf32, #tpu.memory_space<vmem>>
    %dma_wait3A_214 = arith.constant 19 : i32
    %dma_wait3A_215 = arith.constant 0 : i32
    %dma_wait3A_216 = tpu.memref_slice %arg3[%dma_wait3A_214, %dma_wait3A_215, %mul3A_2] : memref<27x16x4096xf32, #tpu.memory_space<hbm>> -> memref<4x16x128xf32, #tpu.memory_space<hbm>>
    %dma_wait3A_217 = arith.constant 19 : i32
    %dma_wait3A_218 = arith.constant 0 : i32
    %dma_wait3A_219 = tpu.memref_slice %arg3[%dma_wait3A_217, %dma_wait3A_218, %mul3A_2] : memref<27x16x4096xf32, #tpu.memory_space<hbm>> -> memref<4x16x128xf32, #tpu.memory_space<hbm>>
    %dma_wait3A_220 = arith.constant 19 : i32
    %dma_wait3A_221 = arith.constant 0 : i32
    %dma_wait3A_222 = arith.constant 0 : i32
    %dma_wait3A_223 = tpu.memref_slice %arg5[%dma_wait3A_220, %dma_wait3A_221, %dma_wait3A_222] : memref<27x16x128xf32, #tpu.memory_space<vmem>> -> memref<4x16x128xf32, #tpu.memory_space<vmem>>
    tpu.wait_dma2 semaphore(%arg8 : memref<!tpu.dma_semaphore, #tpu.memory_space<semaphore_mem>>) src(%dma_wait3A_223 : memref<4x16x128xf32, #tpu.memory_space<vmem>>) dst(%dma_wait3A_219 : memref<4x16x128xf32, #tpu.memory_space<hbm>>)
    %dma_wait3A_224 = arith.constant 23 : i32
    %dma_wait3A_225 = arith.constant 0 : i32
    %dma_wait3A_226 = arith.constant 0 : i32
    %dma_wait3A_227 = tpu.memref_slice %arg5[%dma_wait3A_224, %dma_wait3A_225, %dma_wait3A_226] : memref<27x16x128xf32, #tpu.memory_space<vmem>> -> memref<4x16x128xf32, #tpu.memory_space<vmem>>
    %dma_wait3A_228 = arith.constant 23 : i32
    %dma_wait3A_229 = arith.constant 0 : i32
    %dma_wait3A_230 = tpu.memref_slice %arg3[%dma_wait3A_228, %dma_wait3A_229, %mul3A_2] : memref<27x16x4096xf32, #tpu.memory_space<hbm>> -> memref<4x16x128xf32, #tpu.memory_space<hbm>>
    %dma_wait3A_231 = arith.constant 23 : i32
    %dma_wait3A_232 = arith.constant 0 : i32
    %dma_wait3A_233 = tpu.memref_slice %arg3[%dma_wait3A_231, %dma_wait3A_232, %mul3A_2] : memref<27x16x4096xf32, #tpu.memory_space<hbm>> -> memref<4x16x128xf32, #tpu.memory_space<hbm>>
    %dma_wait3A_234 = arith.constant 23 : i32
    %dma_wait3A_235 = arith.constant 0 : i32
    %dma_wait3A_236 = arith.constant 0 : i32
    %dma_wait3A_237 = tpu.memref_slice %arg5[%dma_wait3A_234, %dma_wait3A_235, %dma_wait3A_236] : memref<27x16x128xf32, #tpu.memory_space<vmem>> -> memref<4x16x128xf32, #tpu.memory_space<vmem>>
    tpu.wait_dma2 semaphore(%arg8 : memref<!tpu.dma_semaphore, #tpu.memory_space<semaphore_mem>>) src(%dma_wait3A_237 : memref<4x16x128xf32, #tpu.memory_space<vmem>>) dst(%dma_wait3A_233 : memref<4x16x128xf32, #tpu.memory_space<hbm>>)
    return
  }
}

</mosaic_0001>

<sc_bundles>
// kernel: kernel.3.cloned.1.call-start
scs
__scs_entry_jumppad:
0x0: {  	(pc) =	sbr.rel $0x88, $3  }
0x1: {  	(tag) =	ssettag $0x0;
	lr =	simm.s32 $0x1  }
0x2: {  	[smem:$0x3FA0] =	sst lr;
	_ =	strace $0xD0000000  }
0x3: {  	_ = 	snop  }
0x4: {  	_ = 	snop  }
0x5: {  	_ = 	snop  }
0x6: {  	_ = 	snop  }
0x7: {  	_ = 	snop  }
__scs_overlays_trampoline_lowered:
0x8: {  	[smem:$0x3FAF] =	sst s0  }
0x9: {  	[smem:$0x3FB0] =	sst s1  }
0xa: {  	[smem:$0x3FB1] =	sst s2  }
0xb: {  	[smem:$0x3FB2] =	sst s3  }
0xc: {  	[smem:$0x3FB3] =	sst s4  }
0xd: {  	[smem:$0x3FB4] =	sst s5  }
0xe: {  	[smem:$0x3FB5] =	sst s6  }
0xf: {  	[smem:$0x3FB6] =	sst s7  }
0x10: {  	[smem:$0x3FB7] =	sst s8  }
0x11: {  	[smem:$0x3FB8] =	sst s9;
	s0 =	simm.s32 @!p0 $0x0  }
0x12: {  	s1 =	sld [smem:$0x3F9E];
	s0 =	simm.s32 @p0 $0x1  }
0x13: {  	[smem:$0x3FB9] =	sst s0;
	s0 =	simm.s32 @!p1 $0x0  }
0x14: {  	s2 =	sld [smem:$0x3F9D];
	s0 =	simm.s32 @p1 $0x1  }
0x15: {  	[smem:$0x3FBA] =	sst s0;
	s0 =	simm.s32 @!p2 $0x0  }
0x16: {  	s3 =	sld [smem:$0x3FDB];
	s0 =	simm.s32 @p2 $0x1  }
0x17: {  	s4 =	simm.s32 $0x1BF5;
	[smem:$0x3FBC] =	sst s0  }
0x18: {  	s0 =	sld [smem:$0x3F9F];
	_ =	swait.ge [sflag:s4], $0x0  }
0x19: {  	s7 =	sld [smem:$0x3FA0]  }
0x1a: {  	s8 =	sadd.s32 $0xFFFFE003, lr  }
0x1b: {  	s9 =	sadd.s32 $0xFFFFFEF7, lr;
	s5 =	simm.s32 $0xFFFFFFFF;
	p2 =	slt.u32 s8, $0xFFFFF086  }
0x1c: {  	p1 =	slt.u32 s9, $0xF7A;
	s5 =	simm.s32 @!p2 $0x0  }
0x1d: {  	s5 =	simm.s32 @p1 $0x1;
	p0 =	seq.s32 s7, s2  }
0x1e: {  	s7 =	smul.u32 @!p0 $0xF7A, s2;
	p2 =	seq.s32 @!p0 s5, $0x0  }
0x1f: {  	s9 =	smul.u32 $0xF7A, s1;
	s8 =	simm.s32 @!p0 $0x1BF5;
	p2 =	por !p2, p0  }
0x20: {  	[sflag:s8] =	ssyncset.s32 @!p0 $0xFFFFF086;
	s6 =	sadd.s32 @!p0 s3, s7;
	s7 =	simm.s32 @!p0 $0x108  }
0x21: {  	s3 =	sadd.s32 s3, s9;
	s6 =	sadd.s32 @!p0 $0x88, s6;
	s7 =	simm.s32 @p2 $0x1082  }
0x22: {  	[simem:s7], [sflag:s8] =	dma.local @!p0 [hbm:s6], $0xF7A  }
0x23: {  	s9 =	sor.u32 $0xD0000000, s2;
	s6 =	simm.s32 $0x108;
	_ =	swait.ge @!p0 [sflag:s8], $0x0  }
0x24: {  	s3 =	sadd.s32 $0x88, s3;
	s6 =	simm.s32 @!p1 $0x1082;
	[sflag:s4] =	ssyncset.s32 $0xFFFFF086  }
0x25: {  	[simem:s6], [sflag:s4] =	dma.local [hbm:s3], $0xF7A  }
0x26: {  	[smem:$0x3FA0] =	sst s1;
	(tag) =	ssettag s2;
	_ =	strace s9  }
0x27: {  	s1 =	sld [smem:$0x3FB0]  }
0x28: {  	s2 =	sld [smem:$0x3FB1]  }
0x29: {  	s4 =	sld [smem:$0x3FB3]  }
0x2a: {  	p0 =	seq.s32 s5, $0x0;
	s5 =	sld [smem:$0x3FB4]  }
0x2b: {  	s6 =	sld [smem:$0x3FB5]  }
0x2c: {  	s7 =	sld [smem:$0x3FB6]  }
0x2d: {  	s3 =	simm.s32 $0x108;
	s8 =	sld [smem:$0x3FB7]  }
0x2e: {  	s3 =	simm.s32 @!p0 $0x1082;
	s9 =	sld [smem:$0x3FB8]  }
0x2f: {  	lr =	sadd.s32 s0, s3;
	s0 =	sld [smem:$0x3FAF]  }
0x30: {  	s3 =	sld [smem:$0x3FB2]  }
0x31: {  	[smem:$0x3FBB] =	sst s10  }
0x32: {  	s10 =	sld [smem:$0x3FB9];
	_ =	sdelay $0x3  }
0x33: {  	p0 =	seq.s32 s10, $0x1;
	s10 =	sld [smem:$0x3FBB];
	_ =	sdelay $0x3  }
0x34: {  	[smem:$0x3FBB] =	sst s10  }
0x35: {  	s10 =	sld [smem:$0x3FBA];
	_ =	sdelay $0x3  }
0x36: {  	p1 =	seq.s32 s10, $0x1;
	s10 =	sld [smem:$0x3FBB];
	_ =	sdelay $0x3  }
0x37: {  	[smem:$0x3FBB] =	sst s10  }
0x38: {  	s10 =	sld [smem:$0x3FBC]  }
0x39: {  	_ = 	snop;
	(pc) =	sbr.ind lr, $3  }
0x3a: {  	_ = 	snop  }
0x3b: {  	_ = 	snop  }
0x3c: {  	p2 =	seq.s32 s10, $0x1;
	s10 =	sld [smem:$0x3FBB]  }
0x3d: {  	_ =	shalt  }
0x3e: {  	_ =	shalt  }
0x3f: {  	_ =	shalt  }
0x40: {  	_ =	shalt  }
0x41: {  	_ =	shalt  }
0x42: {  	_ =	shalt  }
0x43: {  	_ =	shalt  }
0x44: {  	_ =	shalt  }
0x45: {  	_ =	shalt  }
0x46: {  	_ =	shalt  }
0x47: {  	_ =	shalt  }
0x48: {  	_ =	shalt  }
0x49: {  	_ =	shalt  }
0x4a: {  	_ =	shalt  }
0x4b: {  	_ =	shalt  }
0x4c: {  	_ =	shalt  }
0x4d: {  	_ =	shalt  }
0x4e: {  	_ =	shalt  }
0x4f: {  	_ =	shalt  }
0x50: {  	_ =	shalt  }
0x51: {  	_ =	shalt  }
0x52: {  	_ =	shalt  }
0x53: {  	_ =	shalt  }
0x54: {  	_ =	shalt  }
0x55: {  	_ =	shalt  }
0x56: {  	_ =	shalt  }
0x57: {  	_ =	shalt  }
0x58: {  	_ =	shalt  }
0x59: {  	_ =	shalt  }
0x5a: {  	_ =	shalt  }
0x5b: {  	_ =	shalt  }
0x5c: {  	_ =	shalt  }
0x5d: {  	_ =	shalt  }
0x5e: {  	_ =	shalt  }
0x5f: {  	_ =	shalt  }
0x60: {  	_ =	shalt  }
0x61: {  	_ =	shalt  }
0x62: {  	_ =	shalt  }
0x63: {  	_ =	shalt  }
0x64: {  	_ =	shalt  }
0x65: {  	_ =	shalt  }
0x66: {  	_ =	shalt  }
0x67: {  	_ =	shalt  }
0x68: {  	_ =	shalt  }
0x69: {  	_ =	shalt  }
0x6a: {  	_ =	shalt  }
0x6b: {  	_ =	shalt  }
0x6c: {  	_ =	shalt  }
0x6d: {  	_ =	shalt  }
0x6e: {  	_ =	shalt  }
0x6f: {  	_ =	shalt  }
0x70: {  	_ =	shalt  }
0x71: {  	_ =	shalt  }
0x72: {  	_ =	shalt  }
0x73: {  	_ =	shalt  }
0x74: {  	_ =	shalt  }
0x75: {  	_ =	shalt  }
0x76: {  	_ =	shalt  }
0x77: {  	_ =	shalt  }
0x78: {  	_ =	shalt  }
0x79: {  	_ =	shalt  }
0x7a: {  	_ =	shalt  }
0x7b: {  	_ =	shalt  }
0x7c: {  	_ =	shalt  }
0x7d: {  	_ =	shalt  }
0x7e: {  	_ =	shalt  }
0x7f: {  	_ =	shalt  }
0x80: {  	_ =	shalt  }
0x81: {  	_ =	shalt  }
0x82: {  	_ =	shalt  }
0x83: {  	_ =	shalt  }
0x84: {  	_ =	shalt  }
0x85: {  	_ =	shalt  }
0x86: {  	_ =	shalt  }
0x87: {  	_ =	shalt  }
.Lfunc_end0:
.L_simem_size_0:
called_computation_lowered:
.L_overlay_start_0:
0x88: {  	s2 =	sld [smem:$0x3FD9]  }
0x89: {  	s3 =	sld [smem:$0x3FFE];
	_ =	sdelay $0x1  }
0x8a: {  	s1 =	srdreg.scid  }
0x8b: {  	s0 =	sand.u32 $0x1, s1  }
0x8c: {  	s18 =	sshll.u32 s0, $0xA;
	s2 =	sadd.s32 s3, s2  }
0x8d: {  	s2 =	sadd.s32 s2, s18  }
0x8e: {  	[smem:$0x3FC7] =	sst s2  }
0x8f: {  	_ = 	snop  }
0x90: {  	s2 =	sld [smem:$0x3FC9]  }
0x91: {  	s19 =	sld [smem:$0x3FD0];
	(tm) =	ssettm $0x1  }
0x92: {  	s4 =	sld [smem:$0x3FFB];
	_ =	sdelay $0x3  }
0x93: {  	_ =	strace s4  }
0x94: {  	s4 =	sld [smem:$0x3FFC];
	_ =	sdelay $0x3  }
0x95: {  	_ =	strace s4  }
0x96: {  	s4 =	sld [smem:$0x3FFD];
	_ =	sdelay $0x3  }
0x97: {  	_ =	strace s4  }
0x98: {  	_ =	strace $0x8FFFFFFF  }
0x99: {  	s20 =	sld [smem:$0x3FDB];
	_ =	sdelay $0x1  }
0x9a: {  	s5 =	simm.s32 $_scs_section_size  }
0x9b: {  	s6 =	simm.s32 $_size__tile_overlayer_lowered;
	s7 =	simm.s32 $_tile_overlayer_lowered  }
0x9c: {  	s23 =	simm.s32 $0x1BFF;
	s22 =	sshll.u32 s7, $0x1;
	s4 =	sadd.s32 s5, s20  }
0x9d: {  	s8 =	simm.s32 $0x0;
	s21 =	sshll.u32 s6, $0x1;
	s6 =	sadd.s32 s22, s4  }
0x9e: {  	[timem:s8], [sflag:s23] =	dma.local [hbm:s6], s21  }
0x9f: {  	_ =	swait.ge [sflag:s23], s21  }
0xa0: {  	s5 =	ssub.s32 $0x0, s21;
	[sflag:s23] =	ssyncset.done $0x0  }
0xa1: {  	[sflag:s23] =	ssyncadd.s32 s5;
	_ =	sdelay $0x1  }
0xa2: {  	s24 =	simm.s32 $0x1B8B  }
0xa3: {  	_ =	swait.ge [sflag:s24], $0x1  }
0xa4: {  	[sflag:s24] =	ssyncset.done $0x0  }
0xa5: {  	s25 =	simm.s32 $0x1B8E;
	[sflag:s24] =	ssyncadd.s32 $0xFFFFFFFF  }
0xa6: {  	s26 =	simm.s32 $execute0_lowered;
	[smem:$0x3FD2] =	sst s25  }
0xa7: {  	s5 =	sshll.u32 s26, $0x1;
	_ =	strace $0x80000046;
	[dreg:$0x1] =	wrdreg $0xFFFFFFFF  }
0xa8: {  	s28 =	simm.s32 $_size_execute0_lowered;
	s4 =	sadd.s32 s4, s5;
	[dreg:$0x0] =	wrdreg $0x0  }
0xa9: {  	s5 =	sshll.u32 s28, $0x1;
	[dreg:$0x2] =	wrdreg s4  }
0xaa: {  	[dreg:$0x3] =	wrdreg s5  }
0xab: {  	[dreg:$0x4] =	wrdreg $0xC0  }
0xac: {  	_ =	task [dreg:s8], $0x5FFFF  }
0xad: {  	[dreg:$0x1] =	wrdreg $0xFFFFFFFF  }
0xae: {  	[dreg:$0x0] =	wrdreg $0x60  }
0xaf: {  	[dreg:$0x2] =	wrdreg s2  }
0xb0: {  	[dreg:$0x3] =	wrdreg s19  }
0xb1: {  	[dreg:$0x4] =	wrdreg $0x9  }
0xb2: {  	_ =	task.clear_ibuf [dreg:s8], $0x5FFFF;
	_ =	strace $0x90000046  }
0xb3: {  	s29 =	simm.s32 $0x9;
	_ =	strace $0x80000048  }
0xb4: {  	_ =	swait.ge [sflag:s29], $0x1  }
0xb5: {  	[sflag:s29] =	ssyncadd.s32 $0xFFFFFFFF  }
0xb6: {  	_ =	strace $0x90000048  }
0xb7: {  	_ =	sfence  }
0xb8: {  	s30 =	sld [smem:$0x0];
	_ =	sdelay $0x2  }
0xb9: {  	s31 =	sshll.u32 s1, $0xD;
	s1 =	sshrl.u32 s1, $0x2  }
0xba: {  	s3 =	sand.u32 $0x4000, s31;
	s1 =	sadd.s32 s1, s30  }
0xbb: {  	s0 =	sor.u32 s3, s0;
	s1 =	sshll.u32 s1, $0x11  }
0xbc: {  	s0 =	sor.u32 s1, s0  }
0xbd: {  	s0 =	sadd.s32 $0x8F2B, s0  }
0xbe: {  	[sflag:s0] =	ssyncadd.remote.s32 $0x1  }
0xbf: {  	_ =	sfence.sel $0xFFFF  }
0xc0: {  	[dreg:$0x0] =	wrdreg $0xFFFFFFFF;
	(pc) =	sbr.abs _section_cstart, $3  }
0xc1: {  	[dreg:$0x1] =	wrdreg $0xFFFFFFFF  }
0xc2: {  	_ =	task.clear_ibuf [dreg:s8], $0x2FFFF;
	_ =	strace $0x9FFFFFFF  }
0xc3: {  	(tm) =	ssettm $0x7FFFFFFF  }
tec
execute0_lowered:
.L_overlay_start_1:
0x0: {  	(tag) =	ssettag $0x1  }
0x1: {  	s2 =	srdreg.scid  }
0x2: {  	s3 =	stileid.u32;
	s2 =	sand.u32 $0x1, s2  }
0x3: {  	s0 =	rddreg [dreg:$0x0];
	s3 =	sshll.u32 s3, $0x8;
	s4 =	sshll.u32 s2, $0x7  }
0x4: {  	s1 =	rddreg [dreg:$0x1];
	s5 =	simm.s32 $0x0;
	s3 =	sor.u32 s4, s3  }
0x5: {  	[smem:$0x7FF] =	sst s5;
	s1 =	sadd.s32 s1, s3  }
0x6: {  	_ =	strace $0x80000047;
	s5 =	sadd.s32 s0, s3;
	[dreg:$0x7] =	wrdreg s1  }
0x7: {  	s26 =	sadd.s32 $0x1000, s5;
	[dreg:$0x5] =	wrdreg s5  }
0x8: {  	s28 =	sadd.s32 $0x8000, s1;
	[dreg:$0x6] =	wrdreg s26  }
0x9: {  	s2 =	ssub.s32 $0x2, s2;
	s29 =	sadd.s32 $0x18000, s1;
	[dreg:$0x8] =	wrdreg s28  }
0xa: {  	s24 =	sshrl.u32 s2, $0x1;
	s30 =	sadd.s32 $0x26000, s1;
	[dreg:$0x9] =	wrdreg s29  }
0xb: {  	s25 =	ssub.s32 s2, s24;
	s1 =	sadd.s32 $0x2E000, s1;
	[dreg:$0xa] =	wrdreg s30  }
0xc: {  	s0 =	smax.u32 s25, $0x1;
	[dreg:$0xb] =	wrdreg s1  }
0xd: {  	s31 =	sadd.s32 $0x2000, s5;
	[dreg:$0xc] =	wrdreg s0  }
0xe: {  	s2 =	sadd.s32 $0x6000, s5;
	[dreg:$0xd] =	wrdreg s31  }
0xf: {  	s3 =	sadd.s32 $0x8000, s5;
	[dreg:$0xf] =	wrdreg s2  }
0x10: {  	s4 =	sadd.s32 $0xA000, s5;
	[dreg:$0x10] =	wrdreg s3  }
0x11: {  	s6 =	sadd.s32 $0xC000, s5;
	[dreg:$0x11] =	wrdreg s4  }
0x12: {  	s7 =	sadd.s32 $0xE000, s5;
	[dreg:$0x12] =	wrdreg s6  }
0x13: {  	s8 =	sadd.s32 $0x10000, s5;
	[dreg:$0x13] =	wrdreg s7  }
0x14: {  	s9 =	sadd.s32 $0x12000, s5;
	[dreg:$0x14] =	wrdreg s8  }
0x15: {  	s10 =	sadd.s32 $0x14000, s5;
	[dreg:$0x15] =	wrdreg s9  }
0x16: {  	s11 =	sadd.s32 $0x16000, s5;
	[dreg:$0x16] =	wrdreg s10  }
0x17: {  	s12 =	sadd.s32 $0x18000, s5;
	[dreg:$0x17] =	wrdreg s11  }
0x18: {  	s13 =	sadd.s32 $0x1A000, s5;
	[dreg:$0x18] =	wrdreg s12  }
0x19: {  	s14 =	sadd.s32 $0x1C000, s5;
	[dreg:$0x19] =	wrdreg s13  }
0x1a: {  	s15 =	sadd.s32 $0x1E000, s5;
	[dreg:$0x1a] =	wrdreg s14  }
0x1b: {  	s16 =	sadd.s32 $0x3000, s5;
	[dreg:$0x1b] =	wrdreg s15  }
0x1c: {  	s17 =	sadd.s32 $0x5000, s5;
	[dreg:$0x1c] =	wrdreg s16  }
0x1d: {  	s18 =	sadd.s32 $0x7000, s5;
	[dreg:$0x1d] =	wrdreg s17  }
0x1e: {  	s19 =	sadd.s32 $0x9000, s5;
	[dreg:$0x1e] =	wrdreg s18  }
0x1f: {  	s20 =	sadd.s32 $0xB000, s5;
	[dreg:$0x1f] =	wrdreg s19  }
0x20: {  	s21 =	sadd.s32 $0xD000, s5;
	[smem:$0x7F3] =	sst s20  }
0x21: {  	s22 =	sadd.s32 $0xF000, s5;
	[smem:$0x7F4] =	sst s21  }
0x22: {  	s23 =	sadd.s32 $0x11000, s5;
	[smem:$0x7F5] =	sst s22  }
0x23: {  	s24 =	sadd.s32 $0x13000, s5;
	[smem:$0x7F6] =	sst s23  }
0x24: {  	s25 =	sadd.s32 $0x15000, s5;
	[smem:$0x7F7] =	sst s24  }
0x25: {  	s1 =	sadd.s32 $0x4000, s5;
	[smem:$0x7F8] =	sst s25  }
0x26: {  	s26 =	sadd.s32 $0x17000, s5;
	[dreg:$0xe] =	wrdreg s1  }
0x27: {  	s28 =	sadd.s32 $0x19000, s5;
	[smem:$0x7F9] =	sst s26  }
0x28: {  	s29 =	sadd.s32 $0x1B000, s5;
	[smem:$0x7FA] =	sst s28  }
0x29: {  	s30 =	sadd.s32 $0x1D000, s5;
	[smem:$0x7FB] =	sst s29  }
0x2a: {  	s31 =	sadd.s32 $0x1F000, s5;
	s23 =	simm.s32 $0x400;
	[smem:$0x7FC] =	sst s30  }
0x2b: {  	v0 =	vimm.f32 $0.0e+00;
	s24 =	simm.s32 $0x8000;
	s2 =	simm.s32 $0x0;
	[smem:$0x7FD] =	sst s31  }
.LBB2_1:
0x2c: {  	[smem:$0x7F2] =	sst s2  }
0x2d: {  	s1 =	rddreg [dreg:$0x5]  }
0x2e: {  	s0 =	simm.s32 $0x0;
	s9 =	rddreg [dreg:$0xd]  }
0x2f: {  	[tilespmem:s0], [sflag:$0x1] =	stream.linear.gather [hbm4b:s1+s0], $0x400, $0x38;
	[tilespmem:$0x15800] =	vst v63  }
0x30: {  	s10 =	simm.s32 $0x800;
	s11 =	rddreg [dreg:$0xe]  }
0x31: {  	[tilespmem:s10], [sflag:$0x1] =	stream.linear.gather [hbm4b:s9+s0], $0x400, $0x38;
	[tilespmem:$0x15800] =	vst v63  }
0x32: {  	s12 =	simm.s32 $0x1000;
	s13 =	rddreg [dreg:$0xf]  }
0x33: {  	[tilespmem:s12], [sflag:$0x1] =	stream.linear.gather [hbm4b:s11+s0], $0x400, $0x38;
	[tilespmem:$0x15800] =	vst v63  }
0x34: {  	s14 =	simm.s32 $0x1800;
	s15 =	rddreg [dreg:$0x10]  }
0x35: {  	[tilespmem:s14], [sflag:$0x1] =	stream.linear.gather [hbm4b:s13+s0], $0x400, $0x38;
	[tilespmem:$0x15800] =	vst v63  }
0x36: {  	s16 =	simm.s32 $0x2000;
	s17 =	rddreg [dreg:$0x11]  }
0x37: {  	[tilespmem:s16], [sflag:$0x1] =	stream.linear.gather [hbm4b:s15+s0], $0x400, $0x38;
	[tilespmem:$0x15800] =	vst v63  }
0x38: {  	s18 =	simm.s32 $0x2800;
	s19 =	rddreg [dreg:$0x12]  }
0x39: {  	[tilespmem:s18], [sflag:$0x1] =	stream.linear.gather [hbm4b:s17+s0], $0x400, $0x38;
	[tilespmem:$0x15800] =	vst v63  }
0x3a: {  	s20 =	simm.s32 $0x3000;
	s21 =	rddreg [dreg:$0x13]  }
0x3b: {  	[tilespmem:s20], [sflag:$0x1] =	stream.linear.gather [hbm4b:s19+s0], $0x400, $0x38;
	[tilespmem:$0x15800] =	vst v63  }
0x3c: {  	s22 =	simm.s32 $0x3800;
	s25 =	rddreg [dreg:$0x14]  }
0x3d: {  	[tilespmem:s22], [sflag:$0x1] =	stream.linear.gather [hbm4b:s21+s0], $0x400, $0x38;
	[tilespmem:$0x15800] =	vst v63  }
0x3e: {  	s26 =	simm.s32 $0x4000;
	s28 =	rddreg [dreg:$0x15]  }
0x3f: {  	[tilespmem:s26], [sflag:$0x1] =	stream.linear.gather [hbm4b:s25+s0], $0x400, $0x38;
	[tilespmem:$0x15800] =	vst v63  }
0x40: {  	s29 =	simm.s32 $0x4800;
	s30 =	rddreg [dreg:$0x16]  }
0x41: {  	[tilespmem:s29], [sflag:$0x1] =	stream.linear.gather [hbm4b:s28+s0], $0x400, $0x38;
	[tilespmem:$0x15800] =	vst v63  }
0x42: {  	s31 =	simm.s32 $0x5000;
	s2 =	rddreg [dreg:$0x17]  }
0x43: {  	[tilespmem:s31], [sflag:$0x1] =	stream.linear.gather [hbm4b:s30+s0], $0x400, $0x38;
	[tilespmem:$0x15800] =	vst v63  }
0x44: {  	s3 =	simm.s32 $0x5800;
	s4 =	rddreg [dreg:$0x18]  }
0x45: {  	[tilespmem:s3], [sflag:$0x1] =	stream.linear.gather [hbm4b:s2+s0], $0x400, $0x38;
	[tilespmem:$0x15800] =	vst v63  }
0x46: {  	s5 =	simm.s32 $0x6000;
	s6 =	rddreg [dreg:$0x19]  }
0x47: {  	[tilespmem:s5], [sflag:$0x1] =	stream.linear.gather [hbm4b:s4+s0], $0x400, $0x38;
	[tilespmem:$0x15800] =	vst v63  }
0x48: {  	s7 =	simm.s32 $0x6800;
	s8 =	rddreg [dreg:$0x1a]  }
0x49: {  	[tilespmem:s7], [sflag:$0x1] =	stream.linear.gather [hbm4b:s6+s0], $0x400, $0x38;
	[tilespmem:$0x15800] =	vst v63  }
0x4a: {  	s9 =	simm.s32 $0x7000;
	s10 =	rddreg [dreg:$0x1b]  }
0x4b: {  	[tilespmem:s9], [sflag:$0x1] =	stream.linear.gather [hbm4b:s8+s0], $0x400, $0x38;
	[tilespmem:$0x15800] =	vst v63  }
0x4c: {  	s11 =	simm.s32 $0x7800;
	s12 =	rddreg [dreg:$0x6]  }
0x4d: {  	[tilespmem:s11], [sflag:$0x1] =	stream.linear.gather [hbm4b:s10+s0], $0x400, $0x38;
	[tilespmem:$0x15800] =	vst v63  }
0x4e: {  	s13 =	rddreg [dreg:$0x1c]  }
0x4f: {  	[tilespmem:s23], [sflag:$0x2] =	stream.linear.gather [hbm4b:s12+s0], $0x400, $0x38;
	[tilespmem:$0x15800] =	vst v63  }
0x50: {  	s14 =	simm.s32 $0xC00;
	s15 =	rddreg [dreg:$0x1d]  }
0x51: {  	[tilespmem:s14], [sflag:$0x2] =	stream.linear.gather [hbm4b:s13+s0], $0x400, $0x38;
	[tilespmem:$0x15800] =	vst v63  }
0x52: {  	s16 =	simm.s32 $0x1400;
	s17 =	rddreg [dreg:$0x1e]  }
0x53: {  	[tilespmem:s16], [sflag:$0x2] =	stream.linear.gather [hbm4b:s15+s0], $0x400, $0x38;
	[tilespmem:$0x15800] =	vst v63  }
0x54: {  	s18 =	simm.s32 $0x1C00;
	s19 =	rddreg [dreg:$0x1f]  }
0x55: {  	[tilespmem:s18], [sflag:$0x2] =	stream.linear.gather [hbm4b:s17+s0], $0x400, $0x38;
	[tilespmem:$0x15800] =	vst v63  }
0x56: {  	s20 =	simm.s32 $0x2400;
	s21 =	sld [smem:$0x7F3]  }
0x57: {  	[tilespmem:s20], [sflag:$0x2] =	stream.linear.gather [hbm4b:s19+s0], $0x400, $0x38;
	[tilespmem:$0x15800] =	vst v63  }
0x58: {  	s22 =	simm.s32 $0x2C00;
	s25 =	sld [smem:$0x7F4]  }
0x59: {  	[tilespmem:s22], [sflag:$0x2] =	stream.linear.gather [hbm4b:s21+s0], $0x400, $0x38;
	[tilespmem:$0x15800] =	vst v63  }
0x5a: {  	s26 =	simm.s32 $0x3400;
	s28 =	sld [smem:$0x7F5]  }
0x5b: {  	[tilespmem:s26], [sflag:$0x2] =	stream.linear.gather [hbm4b:s25+s0], $0x400, $0x38;
	[tilespmem:$0x15800] =	vst v63  }
0x5c: {  	s29 =	simm.s32 $0x3C00;
	s30 =	sld [smem:$0x7F6]  }
0x5d: {  	[tilespmem:s29], [sflag:$0x2] =	stream.linear.gather [hbm4b:s28+s0], $0x400, $0x38;
	[tilespmem:$0x15800] =	vst v63  }
0x5e: {  	s31 =	simm.s32 $0x4400;
	s3 =	sld [smem:$0x7F7]  }
0x5f: {  	[tilespmem:s31], [sflag:$0x2] =	stream.linear.gather [hbm4b:s30+s0], $0x400, $0x38;
	[tilespmem:$0x15800] =	vst v63  }
0x60: {  	s4 =	simm.s32 $0x4C00;
	s5 =	sld [smem:$0x7F8]  }
0x61: {  	[tilespmem:s4], [sflag:$0x2] =	stream.linear.gather [hbm4b:s3+s0], $0x400, $0x38;
	[tilespmem:$0x15800] =	vst v63  }
0x62: {  	s6 =	simm.s32 $0x5400;
	s7 =	sld [smem:$0x7F9]  }
0x63: {  	[tilespmem:s6], [sflag:$0x2] =	stream.linear.gather [hbm4b:s5+s0], $0x400, $0x38;
	[tilespmem:$0x15800] =	vst v63  }
0x64: {  	s8 =	simm.s32 $0x5C00;
	s9 =	sld [smem:$0x7FA]  }
0x65: {  	[tilespmem:s8], [sflag:$0x2] =	stream.linear.gather [hbm4b:s7+s0], $0x400, $0x38;
	[tilespmem:$0x15800] =	vst v63  }
0x66: {  	s10 =	simm.s32 $0x6400;
	s11 =	sld [smem:$0x7FB]  }
0x67: {  	[tilespmem:s10], [sflag:$0x2] =	stream.linear.gather [hbm4b:s9+s0], $0x400, $0x38;
	[tilespmem:$0x15800] =	vst v63  }
0x68: {  	s12 =	simm.s32 $0x6C00;
	s13 =	sld [smem:$0x7FC]  }
0x69: {  	[tilespmem:s12], [sflag:$0x2] =	stream.linear.gather [hbm4b:s11+s0], $0x400, $0x38;
	[tilespmem:$0x15800] =	vst v63  }
0x6a: {  	s14 =	simm.s32 $0x7400;
	s15 =	sld [smem:$0x7FD]  }
0x6b: {  	[tilespmem:s14], [sflag:$0x2] =	stream.linear.gather [hbm4b:s13+s0], $0x400, $0x38;
	[tilespmem:$0x15800] =	vst v63  }
0x6c: {  	s16 =	simm.s32 $0x7C00;
	s17 =	simm.s32 $0x1  }
0x6d: {  	[tilespmem:s16], [sflag:$0x2] =	stream.linear.gather [hbm4b:s15+s0], $0x400, $0x38;
	[tilespmem:$0x15800] =	vst v63  }
0x6e: {  	s18 =	simm.s32 $0x0;
	s4 =	sand.u32 $0x40, s0;
	_ =	swait.ge [sflag:s17], $0x4000  }
0x6f: {  	s5 =	sor.u32 $0x30, s4;
	s0 =	sand.u32 $0x3FFFF800, s18;
	[sflag:s17] =	ssyncset.done $0x0  }
0x70: {  	s19 =	sor.u32 s5, s0;
	[sflag:s17] =	ssyncadd.s32 $0xFFFFC000  }
0x71: {  	v1 =	vld [tilespmem:s19+$0x0];
	_ =	sdelay $0x2  }
0x72: {  	s21 =	simm.s32 $0x0;
	s20 =	sor.u32 s4, s0  }
0x73: {  	s22 =	sand.u32 $0x3FFFFF80, s21;
	v2 =	vld [tilespmem:s20+$0x0]  }
0x74: {  	s2 =	sadd.s32 $0x8000, s22;
	vm0 =	veq.f32 v1, $0.0e+00  }
0x75: {  	s3 =	sor.u32 s5, s2;
	s7 =	sor.u32 $0x10, s4;
	s8 =	sadd.s32 $0x8800, s22;
	v3 =	vsel vm0, $0x3F800000, v0;
	vm0 =	veq.f32 v1, $1.000000000e+00  }
0x76: {  	s25 =	sor.u32 s5, s8;
	s9 =	sadd.s32 $0x9000, s22;
	s6 =	sor.u32 s7, s0;
	[tilespmem:s3+$0x0] =	vst v3;
	v3 =	vsel vm0, $0x3F800000, v0;
	vm0 =	veq.f32 v1, $2.000000000e+00  }
0x77: {  	s1 =	sadd.s32 $0x9800, s22;
	s26 =	sor.u32 s5, s9;
	v4 =	vld [tilespmem:s6+$0x0];
	[tilespmem:s25+$0x0] =	vst v3;
	v3 =	vsel vm0, $0x3F800000, v0;
	vm0 =	veq.f32 v1, $3.000000000e+00  }
0x78: {  	s28 =	sor.u32 $0x20, s4;
	s5 =	sor.u32 s5, s1;
	vm1 =	veq.f32 v2, $0.0e+00;
	[tilespmem:s26+$0x0] =	vst v3;
	v1 =	vsel vm0, $0x3F800000, v0  }
0x79: {  	s29 =	sor.u32 s4, s2;
	s0 =	sor.u32 s28, s0;
	s19 =	simm.s32 $0x40;
	vm0 =	veq.f32 v2, $1.000000000e+00;
	[tilespmem:s5+$0x0] =	vst v1;
	v1 =	vsel vm1, $0x3F800000, v0  }
0x7a: {  	s30 =	sor.u32 s4, s8;
	s10 =	simm.s32 $0x400;
	v3 =	vld [tilespmem:s0+$0x0];
	s0 =	sand.u32 $0x40, s19;
	vm1 =	veq.f32 v2, $2.000000000e+00;
	v5 =	vsel vm0, $0x3F800000, v0;
	[tilespmem:s29+$0x0] =	vst v1  }
0x7b: {  	s10 =	sand.u32 $0x3FFFF800, s10;
	s11 =	sor.u32 s4, s9;
	vm0 =	veq.f32 v2, $3.000000000e+00;
	s31 =	sor.u32 $0x30, s0;
	v1 =	vsel vm1, $0x3F800000, v0;
	[tilespmem:s30+$0x0] =	vst v5  }
0x7c: {  	s4 =	sor.u32 s4, s1;
	vm1 =	veq.f32 v4, $0.0e+00;
	v2 =	vsel vm0, $0x3F800000, v0;
	s13 =	sor.u32 s31, s10;
	[tilespmem:s11+$0x0] =	vst v1  }
0x7d: {  	s14 =	sor.u32 s7, s2;
	s12 =	sor.u32 s0, s10;
	s17 =	sor.u32 $0x10, s0;
	vm0 =	veq.f32 v4, $1.000000000e+00;
	v62 =	vld [tilespmem:s13+$0x0];
	v1 =	vsel vm1, $0x3F800000, v0;
	[tilespmem:s4+$0x0] =	vst v2  }
0x7e: {  	s15 =	sor.u32 s7, s8;
	v6 =	vld [tilespmem:s12+$0x0];
	s18 =	sor.u32 s17, s10;
	vm1 =	veq.f32 v4, $2.000000000e+00;
	v2 =	vsel vm0, $0x3F800000, v0;
	[tilespmem:s14+$0x0] =	vst v1  }
0x7f: {  	s21 =	simm.s32 $0x4;
	s22 =	simm.s32 $0x40;
	s16 =	sor.u32 s7, s9;
	v63 =	vld [tilespmem:s18+$0x0];
	vm0 =	veq.f32 v4, $3.000000000e+00;
	vm2 =	veq.f32 v3, $0.0e+00;
	v1 =	vsel vm1, $0x3F800000, v0;
	[tilespmem:s15+$0x0] =	vst v2  }
0x80: {  	s2 =	sor.u32 s28, s2;
	s8 =	sor.u32 s28, s8;
	s7 =	sor.u32 s7, s1;
	vm1 =	veq.f32 v3, $1.000000000e+00;
	vm3 =	veq.f32 v3, $2.000000000e+00;
	v2 =	vsel vm0, $0x3F800000, v0;
	[tilespmem:s16+$0x0] =	vst v1  }
0x81: {  	s20 =	sor.u32 $0x20, s0;
	s13 =	sor.u32 s28, s9;
	s9 =	sand.u32 $0x3FFFFF80, s22;
	vm0 =	veq.f32 v3, $3.000000000e+00;
	v3 =	vsel vm1, $0x3F800000, v0;
	v1 =	vsel vm2, $0x3F800000, v0;
	[tilespmem:s7+$0x0] =	vst v2  }
0x82: {  	s25 =	sor.u32 s20, s10;
	s26 =	sadd.s32 $0x8800, s9;
	s14 =	sadd.s32 $0x8000, s9;
	v7 =	vsel vm3, $0x3F800000, v0;
	v2 =	vsel vm0, $0x3F800000, v0;
	vm1 =	veq.f32 v62, $0.0e+00;
	[tilespmem:s2+$0x0] =	vst v1  }
0x83: {  	s22 =	sor.u32 s28, s1;
	s4 =	sor.u32 s0, s26;
	s28 =	sor.u32 s31, s14;
	v1 =	vld [tilespmem:s25+$0x0];
	vm0 =	veq.f32 v6, $0.0e+00;
	vm2 =	veq.f32 v62, $1.000000000e+00;
	v8 =	vsel vm1, $0x3F800000, v0;
	[tilespmem:s8+$0x0] =	vst v3  }
0x84: {  	s29 =	sor.u32 s31, s26;
	s12 =	sor.u32 s17, s26;
	s6 =	sor.u32 s20, s26;
	vm3 =	veq.f32 v62, $2.000000000e+00;
	vm5 =	veq.f32 v62, $3.000000000e+00;
	vm4 =	veq.f32 v63, $0.0e+00;
	[tilespmem:s28+$0x0] =	vst v8  }
0x85: {  	s1 =	sor.u32 s0, s14;
	s15 =	sadd.s32 $0x9000, s9;
	s3 =	sor.u32 s17, s14;
	vm6 =	veq.f32 v63, $2.000000000e+00;
	vm8 =	veq.f32 v63, $3.000000000e+00;
	v3 =	vsel vm2, $0x3F800000, v0;
	[tilespmem:s13+$0x0] =	vst v7  }
0x86: {  	s11 =	sor.u32 s20, s14;
	s30 =	sor.u32 s31, s15;
	vm1 =	veq.f32 v6, $1.000000000e+00;
	vm2 =	veq.f32 v6, $2.000000000e+00;
	s8 =	sadd.s32 $0x9800, s9;
	[tilespmem:s29+$0x0] =	vst v3;
	v3 =	vsel vm3, $0x3F800000, v0  }
0x87: {  	s5 =	sor.u32 s0, s15;
	s10 =	sor.u32 s17, s15;
	s31 =	sor.u32 s31, s8;
	vm3 =	veq.f32 v6, $3.000000000e+00;
	[tilespmem:s30+$0x0] =	vst v3;
	v3 =	vsel vm5, $0x3F800000, v0;
	vm5 =	veq.f32 v63, $1.000000000e+00  }
0x88: {  	s7 =	sor.u32 s0, s8;
	s9 =	sor.u32 s17, s8;
	s0 =	sor.u32 s20, s15;
	[tilespmem:s31+$0x0] =	vst v3;
	vm7 =	veq.f32 v1, $0.0e+00;
	vm9 =	veq.f32 v1, $1.000000000e+00;
	vm10 =	veq.f32 v1, $2.000000000e+00  }
.LBB2_2:
0x89: {  	s21 =	sadd.s32 $0x4, s21;
	v3 =	vsel vm0, $0x3F800000, v0;
	v4 =	vsel vm1, $0x3F800000, v0;
	vm0 =	veq.f32 v1, $3.000000000e+00;
	s19 =	sadd.s32 $0x40, s19;
	[tilespmem:s22+$0x0] =	vst v2;
	s22 =	sor.u32 s20, s8  }
0x8a: {  	v1 =	vsel vm2, $0x3F800000, v0;
	v2 =	vsel vm3, $0x3F800000, v0;
	s14 =	sand.u32 $0x40, s19;
	s2 =	sshll.u32 s21, $0x8;
	[tilespmem:s1+$0x0] =	vst v3;
	v3 =	vsel vm4, $0x3F800000, v0  }
0x8b: {  	v5 =	vsel vm6, $0x3F800000, v0;
	v6 =	vsel vm8, $0x3F800000, v0;
	s1 =	sand.u32 $0x3FFFF800, s2;
	s13 =	sor.u32 $0x10, s14;
	s15 =	sor.u32 $0x30, s14;
	[tilespmem:s4+$0x0] =	vst v4;
	v4 =	vsel vm5, $0x3F800000, v0  }
0x8c: {  	v7 =	vsel vm7, $0x3F800000, v0;
	v8 =	vsel vm9, $0x3F800000, v0;
	v9 =	vsel vm10, $0x3F800000, v0;
	s20 =	sor.u32 $0x20, s14;
	s2 =	sor.u32 s14, s1;
	s4 =	sor.u32 s15, s1;
	[tilespmem:s5+$0x0] =	vst v1  }
0x8d: {  	p0 =	slt.u32 s21, $0x7C;
	s5 =	sor.u32 s13, s1;
	s1 =	sor.u32 s20, s1;
	v10 =	vld [tilespmem:s4+$0x0];
	[tilespmem:s7+$0x0] =	vst v2;
	v2 =	vsel vm0, $0x3F800000, v0  }
0x8e: {  	v11 =	vld [tilespmem:s2+$0x0];
	[tilespmem:s3+$0x0] =	vst v3  }
0x8f: {  	v3 =	vld [tilespmem:s5+$0x0];
	[tilespmem:s12+$0x0] =	vst v4  }
0x90: {  	s2 =	sshll.u32 s21, $0x4;
	v1 =	vld [tilespmem:s1+$0x0];
	[tilespmem:s10+$0x0] =	vst v5  }
0x91: {  	s2 =	sand.u32 $0x3FFFFF80, s2;
	[tilespmem:s9+$0x0] =	vst v6  }
0x92: {  	s16 =	sadd.s32 $0x8000, s2;
	s17 =	sadd.s32 $0x8800, s2;
	vm1 =	veq.f32 v10, $0.0e+00;
	[tilespmem:s11+$0x0] =	vst v7  }
0x93: {  	s18 =	sadd.s32 $0x9000, s2;
	s1 =	sor.u32 s14, s16;
	s3 =	sor.u32 s15, s16;
	vm2 =	veq.f32 v10, $1.000000000e+00;
	vm0 =	veq.f32 v11, $0.0e+00;
	v4 =	vsel vm1, $0x3F800000, v0;
	[tilespmem:s6+$0x0] =	vst v8  }
.Ltmp0:
0x94: {  	s4 =	sor.u32 s14, s17;
	vm3 =	veq.f32 v10, $2.000000000e+00;
	vm1 =	veq.f32 v11, $1.000000000e+00;
	[tilespmem:s3+$0x0] =	vst v4;
	v4 =	vsel vm2, $0x3F800000, v0;
	s3 =	sor.u32 s15, s17;
	(pc) =	sbr.rel @p0 .LBB2_2-.Ltmp0, $4  }
0x95: {  	s8 =	sadd.s32 $0x9800, s2;
	s5 =	sor.u32 s14, s18;
	s2 =	sor.u32 s15, s18;
	vm5 =	veq.f32 v10, $3.000000000e+00;
	vm2 =	veq.f32 v11, $2.000000000e+00;
	[tilespmem:s3+$0x0] =	vst v4;
	v4 =	vsel vm3, $0x3F800000, v0  }
0x96: {  	s7 =	sor.u32 s14, s8;
	vm4 =	veq.f32 v3, $0.0e+00;
	vm3 =	veq.f32 v11, $3.000000000e+00;
	s3 =	sor.u32 s13, s16;
	[tilespmem:s2+$0x0] =	vst v4;
	v4 =	vsel vm5, $0x3F800000, v0;
	s2 =	sor.u32 s15, s8  }
0x97: {  	s12 =	sor.u32 s13, s17;
	s10 =	sor.u32 s13, s18;
	s9 =	sor.u32 s13, s8;
	vm6 =	veq.f32 v3, $2.000000000e+00;
	vm8 =	veq.f32 v3, $3.000000000e+00;
	vm5 =	veq.f32 v3, $1.000000000e+00;
	[tilespmem:s2+$0x0] =	vst v4  }
0x98: {  	s11 =	sor.u32 s20, s16;
	s6 =	sor.u32 s20, s17;
	vm7 =	veq.f32 v1, $0.0e+00;
	vm9 =	veq.f32 v1, $1.000000000e+00;
	vm10 =	veq.f32 v1, $2.000000000e+00;
	[tilespmem:s0+$0x0] =	vst v9;
	s0 =	sor.u32 s20, s18  }
0x99: {  	v3 =	vsel vm0, $0x3F800000, v0;
	[tilespmem:s22+$0x0] =	vst v2  }
0x9a: {  	v2 =	vsel vm1, $0x3F800000, v0;
	[tilespmem:s1+$0x0] =	vst v3  }
0x9b: {  	v3 =	vsel vm2, $0x3F800000, v0;
	[tilespmem:s4+$0x0] =	vst v2  }
0x9c: {  	v2 =	vsel vm3, $0x3F800000, v0;
	[tilespmem:s5+$0x0] =	vst v3  }
0x9d: {  	v3 =	vsel vm4, $0x3F800000, v0;
	[tilespmem:s7+$0x0] =	vst v2  }
0x9e: {  	v2 =	vsel vm5, $0x3F800000, v0;
	[tilespmem:s3+$0x0] =	vst v3  }
0x9f: {  	v3 =	vsel vm6, $0x3F800000, v0;
	[tilespmem:s12+$0x0] =	vst v2  }
0xa0: {  	v2 =	vsel vm8, $0x3F800000, v0;
	[tilespmem:s10+$0x0] =	vst v3  }
0xa1: {  	v3 =	vsel vm7, $0x3F800000, v0;
	[tilespmem:s9+$0x0] =	vst v2  }
0xa2: {  	v2 =	vsel vm9, $0x3F800000, v0;
	[tilespmem:s11+$0x0] =	vst v3  }
0xa3: {  	vm7 =	veq.f32 v1, $3.000000000e+00;
	v1 =	vsel vm10, $0x3F800000, v0;
	[tilespmem:s6+$0x0] =	vst v2  }
0xa4: {  	s20 =	sor.u32 s20, s8;
	v2 =	vsel vm7, $0x3F800000, v0;
	[tilespmem:s0+$0x0] =	vst v1  }
0xa5: {  	[tilespmem:s20+$0x0] =	vst v2  }
0xa6: {  	s19 =	simm.s32 $0x0;
	s21 =	simm.s32 $0x0;
	s0 =	rddreg [dreg:$0x7]  }
0xa7: {  	[hbm4b:s0+s23] =	stream.strided.scatter [tilespmem:s24], [sflag:$0x3], $0x2000, s24, s23, $0x38;
	[tilespmem:$0x15800] =	vst v63  }
0xa8: {  	s2 =	sand.u32 $0x3FFFF800, s21;
	s0 =	sand.u32 $0x40, s19  }
0xa9: {  	s24 =	sor.u32 s0, s2  }
0xaa: {  	s22 =	sor.u32 $0x30, s0;
	v2 =	vld [tilespmem:s24+$0x0]  }
0xab: {  	s23 =	sor.u32 s22, s2  }
0xac: {  	v1 =	vld [tilespmem:s23+$0x0]  }
0xad: {  	s4 =	sor.u32 $0x10, s0  }
0xae: {  	s8 =	sor.u32 s4, s2  }
0xaf: {  	v11 =	vld [tilespmem:s8+$0x0];
	vm9 =	veq.f32 v2, $4.000000000e+00  }
0xb0: {  	vm5 =	veq.f32 v2, $5.000000000e+00;
	vm6 =	veq.f32 v2, $6.000000000e+00;
	vm7 =	veq.f32 v2, $7.000000000e+00  }
0xb1: {  	s25 =	simm.s32 $0x0;
	vm8 =	veq.f32 v1, $4.000000000e+00;
	vm10 =	veq.f32 v1, $5.000000000e+00;
	vm11 =	veq.f32 v1, $6.000000000e+00  }
0xb2: {  	s26 =	sand.u32 $0x3FFFFF80, s25;
	vm12 =	veq.f32 v1, $7.000000000e+00;
	vm13 =	veq.f32 v1, $8.000000000e+00;
	vm14 =	veq.f32 v1, $9.000000000e+00  }
0xb3: {  	s5 =	sadd.s32 $0xA000, s26;
	vm15 =	veq.f32 v1, $1.000000000e+01;
	vm4 =	veq.f32 v1, $1.100000000e+01;
	v14 =	vsel vm7, $0x3F800000, v0  }
0xb4: {  	s3 =	sadd.s32 $0xA800, s26;
	s9 =	sor.u32 s22, s5;
	vm7 =	veq.f32 v11, $1.100000000e+01;
	v3 =	vsel vm8, $0x3F800000, v0;
	v4 =	vsel vm10, $0x3F800000, v0  }
0xb5: {  	s18 =	sor.u32 $0x20, s0;
	s11 =	sor.u32 s22, s3;
	v5 =	vsel vm11, $0x3F800000, v0;
	v6 =	vsel vm12, $0x3F800000, v0;
	v7 =	vsel vm13, $0x3F800000, v0;
	[tilespmem:s9+$0x0] =	vst v3  }
0xb6: {  	s10 =	sadd.s32 $0xB000, s26;
	s20 =	sor.u32 s0, s5;
	s2 =	sor.u32 s18, s2;
	v8 =	vsel vm14, $0x3F800000, v0;
	v9 =	vsel vm15, $0x3F800000, v0;
	v3 =	vsel vm9, $0x3F800000, v0;
	[tilespmem:s11+$0x0] =	vst v4  }
0xb7: {  	s8 =	sor.u32 s22, s10;
	v17 =	vld [tilespmem:s2+$0x0];
	v1 =	vsel vm4, $0x3F800000, v0;
	vm8 =	veq.f32 v2, $8.000000000e+00;
	vm10 =	veq.f32 v2, $1.000000000e+01;
	[tilespmem:s20+$0x0] =	vst v3  }
0xb8: {  	s12 =	sadd.s32 $0xB800, s26;
	s21 =	sor.u32 s0, s3;
	vm11 =	veq.f32 v2, $1.100000000e+01;
	vm12 =	veq.f32 v11, $4.000000000e+00;
	v4 =	vsel vm5, $0x3F800000, v0;
	[tilespmem:s8+$0x0] =	vst v5  }
0xb9: {  	s14 =	sor.u32 s22, s12;
	vm13 =	veq.f32 v11, $5.000000000e+00;
	vm14 =	veq.f32 v11, $6.000000000e+00;
	vm15 =	veq.f32 v11, $7.000000000e+00;
	s11 =	sadd.s32 $0xC000, s26;
	[tilespmem:s21+$0x0] =	vst v4  }
0xba: {  	s13 =	sadd.s32 $0xC800, s26;
	vm4 =	veq.f32 v11, $8.000000000e+00;
	v13 =	vsel vm7, $0x3F800000, v0;
	vm9 =	veq.f32 v2, $9.000000000e+00;
	s15 =	sor.u32 s22, s11;
	[tilespmem:s14+$0x0] =	vst v6  }
0xbb: {  	s16 =	sor.u32 s22, s13;
	v15 =	vsel vm8, $0x3F800000, v0;
	v18 =	vsel vm10, $0x3F800000, v0;
	v19 =	vsel vm11, $0x3F800000, v0;
	s14 =	sadd.s32 $0xD000, s26;
	[tilespmem:s15+$0x0] =	vst v7  }
0xbc: {  	v10 =	vsel vm4, $0x3F800000, v0;
	vm8 =	veq.f32 v17, $4.000000000e+00;
	vm10 =	veq.f32 v17, $6.000000000e+00;
	s15 =	sadd.s32 $0xD800, s26;
	s17 =	sor.u32 s22, s14;
	[tilespmem:s16+$0x0] =	vst v8  }
0xbd: {  	s25 =	sor.u32 s0, s13;
	vm11 =	veq.f32 v17, $7.000000000e+00;
	v2 =	vsel vm9, $0x3F800000, v0;
	v5 =	vsel vm6, $0x3F800000, v0;
	s1 =	sor.u32 s22, s15;
	s22 =	sor.u32 s0, s10;
	[tilespmem:s17+$0x0] =	vst v9  }
0xbe: {  	s30 =	sor.u32 s4, s5;
	s31 =	sor.u32 s4, s3;
	s6 =	sor.u32 s4, s10;
	vm5 =	veq.f32 v11, $9.000000000e+00;
	vm9 =	veq.f32 v17, $5.000000000e+00;
	v16 =	vsel vm10, $0x3F800000, v0;
	[tilespmem:s22+$0x0] =	vst v5  }
0xbf: {  	s29 =	sor.u32 s4, s12;
	s7 =	sor.u32 s18, s3;
	s23 =	sor.u32 s0, s12;
	vm6 =	veq.f32 v11, $1.000000000e+01;
	v11 =	vsel vm5, $0x3F800000, v0;
	v6 =	vsel vm14, $0x3F800000, v0;
	[tilespmem:s1+$0x0] =	vst v1  }
0xc0: {  	s28 =	sor.u32 s18, s10;
	s24 =	sor.u32 s0, s11;
	s8 =	sor.u32 s18, s5;
	v12 =	vsel vm6, $0x3F800000, v0;
	vm14 =	veq.f32 v17, $1.000000000e+01;
	v7 =	vsel vm15, $0x3F800000, v0;
	[tilespmem:s23+$0x0] =	vst v14  }
0xc1: {  	s26 =	sor.u32 s4, s11;
	vm15 =	veq.f32 v17, $1.100000000e+01;
	v8 =	vsel vm12, $0x3F800000, v0;
	s16 =	sor.u32 s0, s14;
	vm12 =	veq.f32 v17, $8.000000000e+00;
	s21 =	sor.u32 s18, s15;
	[tilespmem:s24+$0x0] =	vst v15  }
0xc2: {  	v9 =	vsel vm13, $0x3F800000, v0;
	s17 =	sor.u32 s0, s15;
	s0 =	sor.u32 s4, s13;
	vm13 =	veq.f32 v17, $9.000000000e+00;
	v5 =	vsel vm11, $0x3F800000, v0;
	s22 =	sor.u32 s18, s14;
	[tilespmem:s25+$0x0] =	vst v2  }
0xc3: {  	v4 =	vsel vm12, $0x3F800000, v0;
	v14 =	vsel vm8, $0x3F800000, v0;
	s1 =	sor.u32 s4, s14;
	s4 =	sor.u32 s4, s15;
	s23 =	sor.u32 s18, s11;
	v3 =	vsel vm13, $0x3F800000, v0;
	[tilespmem:s16+$0x0] =	vst v18  }
0xc4: {  	v1 =	vsel vm15, $0x3F800000, v0;
	v15 =	vsel vm9, $0x3F800000, v0;
	s24 =	sor.u32 s18, s12;
	s12 =	sor.u32 s18, s13;
	v2 =	vsel vm14, $0x3F800000, v0;
	s25 =	simm.s32 $0x0;
	[tilespmem:s17+$0x0] =	vst v19  }
.LBB2_4:
0xc5: {  	s25 =	sadd.s32 $0x4, s25;
	[tilespmem:s30+$0x0] =	vst v8;
	s19 =	sadd.s32 $0x40, s19  }
0xc6: {  	s30 =	sand.u32 $0x40, s19;
	s2 =	sshll.u32 s25, $0x8;
	[tilespmem:s31+$0x0] =	vst v9  }
0xc7: {  	s2 =	sand.u32 $0x3FFFF800, s2;
	s10 =	sor.u32 $0x10, s30;
	[tilespmem:s6+$0x0] =	vst v6  }
0xc8: {  	s31 =	sor.u32 $0x30, s30;
	s9 =	sor.u32 $0x20, s30;
	s3 =	sor.u32 s30, s2;
	[tilespmem:s29+$0x0] =	vst v7  }
0xc9: {  	s5 =	sor.u32 s31, s2;
	s20 =	sor.u32 s10, s2;
	s2 =	sor.u32 s9, s2;
	[tilespmem:s26+$0x0] =	vst v10  }
0xca: {  	v9 =	vld [tilespmem:s2+$0x0];
	[tilespmem:s8+$0x0] =	vst v14  }
0xcb: {  	[tilespmem:s0+$0x0] =	vst v11  }
0xcc: {  	v7 =	vld [tilespmem:s3+$0x0];
	[tilespmem:s7+$0x0] =	vst v15  }
0xcd: {  	v8 =	vld [tilespmem:s20+$0x0];
	[tilespmem:s1+$0x0] =	vst v12  }
0xce: {  	[tilespmem:s28+$0x0] =	vst v16  }
0xcf: {  	v6 =	vld [tilespmem:s5+$0x0];
	[tilespmem:s4+$0x0] =	vst v13  }
0xd0: {  	[tilespmem:s24+$0x0] =	vst v5  }
0xd1: {  	[tilespmem:s23+$0x0] =	vst v4  }
0xd2: {  	v10 =	vimm.s32 $0x0;
	vm1 =	veq.f32 v7, $4.000000000e+00;
	[tilespmem:s12+$0x0] =	vst v3  }
0xd3: {  	v11 =	vimm.s32 $0x0;
	s1 =	sshll.u32 s25, $0x4;
	vm14 =	veq.f32 v7, $5.000000000e+00;
	v10 =	vsel vm1, $0xFFFFFFFF, v10;
	[tilespmem:s22+$0x0] =	vst v2  }
0xd4: {  	s0 =	sand.u32 $0x3FFFFF80, s1;
	vm0 =	veq.f32 v6, $4.000000000e+00;
	v11 =	vsel vm14, $0xFFFFFFFF, v11;
	[tilespmem:$0x1FF70] =	vst v10  }
0xd5: {  	s8 =	sadd.s32 $0xA000, s0;
	vm13 =	veq.f32 v6, $5.000000000e+00;
	vm15 =	veq.f32 v6, $6.000000000e+00;
	vm4 =	veq.f32 v7, $6.000000000e+00;
	[tilespmem:$0x1FF80] =	vst v11  }
0xd6: {  	s4 =	sor.u32 s31, s8;
	vm5 =	veq.f32 v6, $7.000000000e+00;
	v10 =	vsel vm0, $0x3F800000, v0;
	v11 =	vimm.s32 $0x0;
	[tilespmem:s21+$0x0] =	vst v1  }
0xd7: {  	s7 =	sadd.s32 $0xA800, s0;
	vm7 =	veq.f32 v6, $8.000000000e+00;
	vm9 =	veq.f32 v6, $9.000000000e+00;
	[tilespmem:s4+$0x0] =	vst v10;
	v11 =	vsel vm4, $0xFFFFFFFF, v11  }
0xd8: {  	s28 =	sadd.s32 $0xB000, s0;
	s6 =	sor.u32 s31, s7;
	vm11 =	veq.f32 v6, $1.000000000e+01;
	vm14 =	veq.f32 v7, $1.100000000e+01;
	v10 =	vsel vm13, $0x3F800000, v0;
	[tilespmem:$0x1FF90] =	vst v11  }
0xd9: {  	s11 =	sor.u32 s31, s28;
	vm13 =	veq.f32 v6, $1.100000000e+01;
	v6 =	vimm.s32 $0x0;
	[tilespmem:s6+$0x0] =	vst v10;
	v10 =	vsel vm15, $0x3F800000, v0  }
0xda: {  	vm6 =	veq.f32 v7, $7.000000000e+00;
	v11 =	vimm.s32 $0x0;
	v6 =	vsel vm14, $0xFFFFFFFF, v6;
	[tilespmem:s11+$0x0] =	vst v10  }
0xdb: {  	s18 =	sadd.s32 $0xB800, s0;
	v11 =	vsel vm6, $0xFFFFFFFF, v11;
	[tilespmem:$0x1FFE0] =	vst v6  }
0xdc: {  	s17 =	sadd.s32 $0xC000, s0;
	s13 =	sor.u32 s31, s18;
	v10 =	vsel vm5, $0x3F800000, v0;
	[tilespmem:$0x1FFA0] =	vst v11  }
0xdd: {  	s15 =	sor.u32 s31, s17;
	v2 =	vld [tilespmem:$0x1FF70];
	vm15 =	veq.f32 v8, $4.000000000e+00;
	v6 =	vimm.s32 $0x0;
	[tilespmem:s13+$0x0] =	vst v10;
	v10 =	vsel vm7, $0x3F800000, v0  }
0xde: {  	vm8 =	veq.f32 v7, $8.000000000e+00;
	v11 =	vimm.s32 $0x0;
	v6 =	vsel vm15, $0xFFFFFFFF, v6;
	[tilespmem:s15+$0x0] =	vst v10  }
0xdf: {  	s2 =	sadd.s32 $0xC800, s0;
	v3 =	vld [tilespmem:$0x1FF80];
	v11 =	vsel vm8, $0xFFFFFFFF, v11;
	[tilespmem:$0x1FFF0] =	vst v6  }
0xe0: {  	s20 =	sadd.s32 $0xD000, s0;
	vm10 =	veq.f32 v7, $9.000000000e+00;
	s26 =	sor.u32 s31, s2;
	vm12 =	veq.f32 v7, $1.000000000e+01;
	v10 =	vsel vm9, $0x3F800000, v0;
	[tilespmem:$0x1FFB0] =	vst v11  }
0xe1: {  	s3 =	sor.u32 s30, s8;
	s1 =	sor.u32 s31, s20;
	vm3 =	veq.f32 v9, $8.000000000e+00;
	v11 =	vimm.s32 $0x0;
	[tilespmem:s26+$0x0] =	vst v10;
	v10 =	vsel vm11, $0x3F800000, v0  }
0xe2: {  	s5 =	sor.u32 s30, s7;
	s14 =	sor.u32 s30, s18;
	vm2 =	veq.f32 v9, $9.000000000e+00;
	[dreg:$0x3] =	wrdreg s3;
	v4 =	vld [tilespmem:$0x1FF90];
	vm8 =	vnez.u8 v2;
	v11 =	vsel vm10, $0xFFFFFFFF, v11;
	[tilespmem:s1+$0x0] =	vst v10  }
0xe3: {  	s29 =	sor.u32 s10, s18;
	s24 =	sor.u32 s9, s18;
	vm1 =	veq.f32 v9, $1.100000000e+01;
	s18 =	rddreg [dreg:$0x3];
	v1 =	vld [tilespmem:$0x1FFA0];
	v2 =	vsel vm8, $0x3F800000, v0;
	[tilespmem:$0x1FFC0] =	vst v11;
	v11 =	vimm.s32 $0x0  }
0xe4: {  	[dreg:$0x4] =	wrdreg s5;
	s22 =	sor.u32 s9, s20;
	vm0 =	veq.f32 v9, $1.000000000e+01;
	s11 =	sadd.s32 $0xD800, s0;
	vm8 =	vnez.u8 v3;
	[tilespmem:s18+$0x0] =	vst v2;
	v2 =	vld [tilespmem:$0x1FFB0];
	v11 =	vsel vm12, $0xFFFFFFFF, v11  }
0xe5: {  	vm4 =	veq.f32 v9, $7.000000000e+00;
	vm14 =	veq.f32 v8, $1.000000000e+01;
	s15 =	sor.u32 s30, s20;
	s1 =	sor.u32 s10, s20;
	s20 =	rddreg [dreg:$0x4];
	v3 =	vsel vm8, $0x3F800000, v0;
	v5 =	vld [tilespmem:$0x1FFC0];
	[tilespmem:$0x1FFD0] =	vst v11  }
0xe6: {  	vm6 =	veq.f32 v9, $5.000000000e+00;
	vm5 =	veq.f32 v9, $6.000000000e+00;
	s4 =	sor.u32 s31, s11;
	v6 =	vsel vm13, $0x3F800000, v0;
	[tilespmem:s20+$0x0] =	vst v3;
	v3 =	vld [tilespmem:$0x1FFD0]  }
0xe7: {  	v12 =	vsel vm14, $0x3F800000, v0;
	vm15 =	veq.f32 v8, $1.100000000e+01;
	[tilespmem:s4+$0x0] =	vst v6;
	vm8 =	vnez.u8 v4;
	v6 =	vld [tilespmem:$0x1FFE0]  }
0xe8: {  	vm7 =	veq.f32 v9, $4.000000000e+00;
	v4 =	vsel vm8, $0x3F800000, v0;
	vm8 =	vnez.u8 v1  }
0xe9: {  	v15 =	vsel vm6, $0x3F800000, v0;
	v1 =	vsel vm8, $0x3F800000, v0;
	vm8 =	vnez.u8 v2  }
0xea: {  	v16 =	vsel vm5, $0x3F800000, v0;
	v2 =	vsel vm8, $0x3F800000, v0;
	vm8 =	vnez.u8 v5  }
0xeb: {  	vm9 =	veq.f32 v8, $5.000000000e+00;
	v5 =	vsel vm8, $0x3F800000, v0;
	vm8 =	vnez.u8 v3  }
0xec: {  	s5 =	sor.u32 s30, s28;
	vm13 =	veq.f32 v8, $9.000000000e+00;
	v3 =	vsel vm8, $0x3F800000, v0;
	vm8 =	vnez.u8 v6;
	v6 =	vld [tilespmem:$0x1FFF0]  }
0xed: {  	p0 =	slt.u32 s25, $0x7C;
	s16 =	sor.u32 s30, s17;
	s23 =	sor.u32 s9, s17;
	v13 =	vsel vm15, $0x3F800000, v0;
	v14 =	vsel vm7, $0x3F800000, v0;
	vm11 =	veq.f32 v8, $7.000000000e+00;
	[tilespmem:s5+$0x0] =	vst v4  }
.Ltmp1:
0xee: {  	s12 =	sor.u32 s9, s2;
	s3 =	sor.u32 s30, s2;
	v9 =	vsel vm9, $0x3F800000, v0;
	vm10 =	veq.f32 v8, $6.000000000e+00;
	vm12 =	veq.f32 v8, $8.000000000e+00;
	[tilespmem:s14+$0x0] =	vst v1;
	(pc) =	sbr.rel @p0 .LBB2_4-.Ltmp1, $4  }
0xef: {  	s6 =	sor.u32 s10, s28;
	s28 =	sor.u32 s9, s28;
	s0 =	sor.u32 s10, s2;
	v7 =	vsel vm11, $0x3F800000, v0;
	v10 =	vsel vm12, $0x3F800000, v0;
	v11 =	vsel vm13, $0x3F800000, v0;
	[tilespmem:s16+$0x0] =	vst v2  }
0xf0: {  	s13 =	sor.u32 s30, s11;
	s31 =	sor.u32 s10, s7;
	s7 =	sor.u32 s9, s7;
	v4 =	vsel vm3, $0x3F800000, v0;
	v1 =	vsel vm1, $0x3F800000, v0;
	v2 =	vsel vm0, $0x3F800000, v0;
	[tilespmem:s3+$0x0] =	vst v5  }
0xf1: {  	s30 =	sor.u32 s10, s8;
	s26 =	sor.u32 s10, s17;
	s17 =	sor.u32 s9, s11;
	v5 =	vsel vm4, $0x3F800000, v0;
	v17 =	vsel vm8, $0x3F800000, v0;
	[tilespmem:s15+$0x0] =	vst v3;
	vm8 =	vnez.u8 v6  }
0xf2: {  	s8 =	sor.u32 s9, s8;
	s21 =	smov.u32 s17;
	s4 =	sor.u32 s10, s11;
	v3 =	vsel vm2, $0x3F800000, v0;
	[tilespmem:s13+$0x0] =	vst v17;
	v6 =	vsel vm10, $0x3F800000, v0;
	v8 =	vsel vm8, $0x3F800000, v0  }
0xf3: {  	[tilespmem:s30+$0x0] =	vst v8  }
0xf4: {  	[tilespmem:s8+$0x0] =	vst v14  }
0xf5: {  	[tilespmem:s31+$0x0] =	vst v9  }
0xf6: {  	[tilespmem:s7+$0x0] =	vst v15  }
0xf7: {  	[tilespmem:s6+$0x0] =	vst v6  }
0xf8: {  	[tilespmem:s28+$0x0] =	vst v16  }
0xf9: {  	[tilespmem:s29+$0x0] =	vst v7  }
0xfa: {  	[tilespmem:s24+$0x0] =	vst v5  }
0xfb: {  	[tilespmem:s26+$0x0] =	vst v10  }
0xfc: {  	[tilespmem:s23+$0x0] =	vst v4  }
0xfd: {  	[tilespmem:s0+$0x0] =	vst v11  }
0xfe: {  	[tilespmem:s12+$0x0] =	vst v3  }
0xff: {  	[tilespmem:s1+$0x0] =	vst v12  }
0x100: {  	[tilespmem:s22+$0x0] =	vst v2  }
0x101: {  	s2 =	simm.s32 $0x0;
	s28 =	simm.s32 $0xA000;
	s1 =	simm.s32 $0x0;
	[tilespmem:s4+$0x0] =	vst v13  }
0x102: {  	s24 =	simm.s32 $0x8000;
	s29 =	sand.u32 $0x380, s2;
	[tilespmem:s21+$0x0] =	vst v1;
	s3 =	sand.u32 $0xF, s1  }
0x103: {  	s23 =	simm.s32 $0x400;
	s0 =	rddreg [dreg:$0x8];
	s30 =	sshll.u32 s3, $0xB  }
0x104: {  	[hbm4b:s0+s23] =	stream.strided.scatter [tilespmem:s28], [sflag:$0x3], $0x4000, s24, s23, $0x38;
	[tilespmem:$0x15800] =	vst v63  }
0x105: {  	s0 =	sor.u32 s29, s30  }
0x106: {  	v4 =	vld [tilespmem:s0+$0xF0]  }
0x107: {  	v2 =	vld [tilespmem:s0+$0x80]  }
0x108: {  	v1 =	vld [tilespmem:s0+$0x90]  }
0x109: {  	s31 =	sand.u32 $0x3800, s1;
	s3 =	sshll.u32 s3, $0x7;
	v3 =	vld [tilespmem:s0+$0xA0]  }
0x10a: {  	s4 =	simm.s32 $0x1;
	s3 =	sor.u32 s3, s31;
	v5 =	vld [tilespmem:s0+$0xB0]  }
.LBB2_6:
0x10b: {  	s2 =	sadd.s32 $0x8, s2;
	s5 =	sand.u32 $0xF, s4;
	v6 =	vld [tilespmem:s0+$0xC0];
	[tilespmem:s3+$0xE070] =	vst v4  }
0x10c: {  	s6 =	sand.u32 $0x380, s2;
	s7 =	sshll.u32 s5, $0xB;
	p0 =	slt.u32 s2, $0x378;
	[tilespmem:s3+$0xE000] =	vst v2;
	v7 =	vld [tilespmem:s0+$0xD0]  }
0x10d: {  	[tilespmem:s3+$0xE010] =	vst v1;
	v8 =	vld [tilespmem:s0+$0xE0];
	s0 =	sor.u32 s6, s7  }
.Ltmp2:
0x10e: {  	v4 =	vld [tilespmem:s0+$0xF0];
	[tilespmem:s3+$0xE020] =	vst v3;
	(pc) =	sbr.rel @p0 .LBB2_6-.Ltmp2, $4  }
0x10f: {  	v2 =	vld [tilespmem:s0+$0x80];
	[tilespmem:s3+$0xE030] =	vst v5  }
0x110: {  	s1 =	sadd.s32 $0x80, s1;
	v1 =	vld [tilespmem:s0+$0x90];
	[tilespmem:s3+$0xE040] =	vst v6  }
0x111: {  	s5 =	sshll.u32 s5, $0x7;
	s6 =	sand.u32 $0x3800, s1;
	v3 =	vld [tilespmem:s0+$0xA0];
	[tilespmem:s3+$0xE050] =	vst v7  }
0x112: {  	s4 =	sadd.s32 $0x1, s4;
	v5 =	vld [tilespmem:s0+$0xB0];
	[tilespmem:s3+$0xE060] =	vst v8;
	s3 =	sor.u32 s5, s6  }
0x113: {  	v6 =	vld [tilespmem:s0+$0xC0];
	[tilespmem:s3+$0xE070] =	vst v4  }
0x114: {  	[tilespmem:s3+$0xE000] =	vst v2;
	v2 =	vld [tilespmem:s0+$0xD0]  }
0x115: {  	[tilespmem:s3+$0xE010] =	vst v1;
	v1 =	vld [tilespmem:s0+$0xE0]  }
0x116: {  	[tilespmem:s3+$0xE020] =	vst v3  }
0x117: {  	[tilespmem:s3+$0xE030] =	vst v5  }
0x118: {  	[tilespmem:s3+$0xE040] =	vst v6  }
0x119: {  	[tilespmem:s3+$0xE050] =	vst v2  }
0x11a: {  	s1 =	simm.s32 $0xE000;
	[tilespmem:s3+$0xE060] =	vst v1  }
0x11b: {  	s5 =	simm.s32 $0x2;
	s0 =	simm.s32 $0x0;
	s29 =	rddreg [dreg:$0x9]  }
0x11c: {  	[hbm4b:s29+s23] =	stream.strided.scatter [tilespmem:s1], [sflag:$0x3], $0x3800, s24, s23, $0x38;
	[tilespmem:$0x15800] =	vst v63  }
0x11d: {  	s30 =	sand.u32 $0xF, s0;
	s1 =	simm.s32 $0x0;
	_ =	swait.ge [sflag:s5], $0x4000  }
0x11e: {  	s4 =	sshll.u32 s30, $0xB;
	s2 =	sand.u32 $0x180, s1;
	[sflag:s5] =	ssyncset.done $0x0  }
0x11f: {  	s2 =	sor.u32 s2, s4;
	[sflag:s5] =	ssyncadd.s32 $0xFFFFC000  }
0x120: {  	v4 =	vld [tilespmem:s2+$0x470]  }
0x121: {  	v2 =	vld [tilespmem:s2+$0x400]  }
0x122: {  	v1 =	vld [tilespmem:s2+$0x410]  }
0x123: {  	s31 =	sand.u32 $0x1800, s0;
	s3 =	sshll.u32 s30, $0x7;
	v3 =	vld [tilespmem:s2+$0x420]  }
0x124: {  	s3 =	sor.u32 s3, s31;
	s4 =	simm.s32 $0x1;
	v5 =	vld [tilespmem:s2+$0x430]  }
.LBB2_8:
0x125: {  	s1 =	sadd.s32 $0x8, s1;
	s5 =	sand.u32 $0xF, s4;
	v6 =	vld [tilespmem:s2+$0x440];
	[tilespmem:s3+$0x11870] =	vst v4  }
0x126: {  	s6 =	sand.u32 $0x180, s1;
	s7 =	sshll.u32 s5, $0xB;
	p0 =	slt.u32 s1, $0x1F8;
	[tilespmem:s3+$0x11800] =	vst v2;
	v7 =	vld [tilespmem:s2+$0x450]  }
0x127: {  	[tilespmem:s3+$0x11810] =	vst v1;
	v8 =	vld [tilespmem:s2+$0x460];
	s2 =	sor.u32 s6, s7  }
.Ltmp3:
0x128: {  	v4 =	vld [tilespmem:s2+$0x470];
	[tilespmem:s3+$0x11820] =	vst v3;
	(pc) =	sbr.rel @p0 .LBB2_8-.Ltmp3, $4  }
0x129: {  	v2 =	vld [tilespmem:s2+$0x400];
	[tilespmem:s3+$0x11830] =	vst v5  }
0x12a: {  	s0 =	sadd.s32 $0x80, s0;
	v1 =	vld [tilespmem:s2+$0x410];
	[tilespmem:s3+$0x11840] =	vst v6  }
0x12b: {  	s5 =	sshll.u32 s5, $0x7;
	s6 =	sand.u32 $0x1800, s0;
	v3 =	vld [tilespmem:s2+$0x420];
	[tilespmem:s3+$0x11850] =	vst v7  }
0x12c: {  	s4 =	sadd.s32 $0x1, s4;
	v5 =	vld [tilespmem:s2+$0x430];
	[tilespmem:s3+$0x11860] =	vst v8;
	s3 =	sor.u32 s5, s6  }
0x12d: {  	v6 =	vld [tilespmem:s2+$0x440];
	[tilespmem:s3+$0x11870] =	vst v4  }
0x12e: {  	[tilespmem:s3+$0x11800] =	vst v2;
	v2 =	vld [tilespmem:s2+$0x450]  }
0x12f: {  	[tilespmem:s3+$0x11810] =	vst v1;
	v1 =	vld [tilespmem:s2+$0x460]  }
0x130: {  	[tilespmem:s3+$0x11820] =	vst v3  }
0x131: {  	[tilespmem:s3+$0x11830] =	vst v5  }
0x132: {  	[tilespmem:s3+$0x11840] =	vst v6  }
0x133: {  	[tilespmem:s3+$0x11850] =	vst v2  }
0x134: {  	[tilespmem:s3+$0x11860] =	vst v1  }
0x135: {  	s1 =	simm.s32 $0x11800;
	s0 =	rddreg [dreg:$0xa]  }
0x136: {  	[hbm4b:s0+s23] =	stream.strided.scatter [tilespmem:s1], [sflag:$0x3], $0x2000, s24, s23, $0x38;
	[tilespmem:$0x15800] =	vst v63  }
0x137: {  	s1 =	simm.s32 $0x0  }
0x138: {  	s2 =	simm.s32 $0x0;
	s29 =	sand.u32 $0xF, s1  }
0x139: {  	s30 =	sand.u32 $0x180, s2;
	s4 =	sshll.u32 s29, $0xB  }
0x13a: {  	s0 =	sor.u32 s30, s4  }
0x13b: {  	v4 =	vld [tilespmem:s0+$0x670]  }
0x13c: {  	v2 =	vld [tilespmem:s0+$0x600]  }
0x13d: {  	v1 =	vld [tilespmem:s0+$0x610]  }
0x13e: {  	s31 =	sand.u32 $0x1800, s1;
	s3 =	sshll.u32 s29, $0x7;
	v3 =	vld [tilespmem:s0+$0x620]  }
0x13f: {  	s3 =	sor.u32 s3, s31;
	s4 =	simm.s32 $0x1;
	v5 =	vld [tilespmem:s0+$0x630]  }
.LBB2_10:
0x140: {  	s2 =	sadd.s32 $0x8, s2;
	s5 =	sand.u32 $0xF, s4;
	v6 =	vld [tilespmem:s0+$0x640];
	[tilespmem:s3+$0x13870] =	vst v4  }
0x141: {  	s6 =	sand.u32 $0x180, s2;
	s7 =	sshll.u32 s5, $0xB;
	p0 =	slt.u32 s2, $0x1F8;
	[tilespmem:s3+$0x13800] =	vst v2;
	v7 =	vld [tilespmem:s0+$0x650]  }
0x142: {  	[tilespmem:s3+$0x13810] =	vst v1;
	v8 =	vld [tilespmem:s0+$0x660];
	s0 =	sor.u32 s6, s7  }
.Ltmp4:
0x143: {  	v4 =	vld [tilespmem:s0+$0x670];
	[tilespmem:s3+$0x13820] =	vst v3;
	(pc) =	sbr.rel @p0 .LBB2_10-.Ltmp4, $4  }
0x144: {  	v2 =	vld [tilespmem:s0+$0x600];
	[tilespmem:s3+$0x13830] =	vst v5  }
0x145: {  	s1 =	sadd.s32 $0x80, s1;
	v1 =	vld [tilespmem:s0+$0x610];
	[tilespmem:s3+$0x13840] =	vst v6  }
0x146: {  	s5 =	sshll.u32 s5, $0x7;
	s6 =	sand.u32 $0x1800, s1;
	v3 =	vld [tilespmem:s0+$0x620];
	[tilespmem:s3+$0x13850] =	vst v7  }
0x147: {  	s4 =	sadd.s32 $0x1, s4;
	v5 =	vld [tilespmem:s0+$0x630];
	[tilespmem:s3+$0x13860] =	vst v8;
	s3 =	sor.u32 s5, s6  }
0x148: {  	v6 =	vld [tilespmem:s0+$0x640];
	[tilespmem:s3+$0x13870] =	vst v4  }
0x149: {  	[tilespmem:s3+$0x13800] =	vst v2;
	v2 =	vld [tilespmem:s0+$0x650]  }
0x14a: {  	[tilespmem:s3+$0x13810] =	vst v1;
	v1 =	vld [tilespmem:s0+$0x660]  }
0x14b: {  	[tilespmem:s3+$0x13820] =	vst v3  }
0x14c: {  	[tilespmem:s3+$0x13830] =	vst v5  }
0x14d: {  	[tilespmem:s3+$0x13840] =	vst v6  }
0x14e: {  	[tilespmem:s3+$0x13850] =	vst v2  }
0x14f: {  	[tilespmem:s3+$0x13860] =	vst v1  }
0x150: {  	s1 =	simm.s32 $0x13800;
	s30 =	simm.s32 $0x3;
	s29 =	rddreg [dreg:$0xb]  }
0x151: {  	[hbm4b:s29+s23] =	stream.strided.scatter [tilespmem:s1], [sflag:$0x3], $0x2000, s24, s23, $0x38;
	[tilespmem:$0x15800] =	vst v63  }
0x152: {  	_ =	swait.ge [sflag:s30], $0x2000  }
0x153: {  	[sflag:s30] =	ssyncset.done $0x0  }
0x154: {  	[sflag:s30] =	ssyncadd.s32 $0xFFFFE000  }
0x155: {  	_ =	swait.ge [sflag:s30], $0x4000  }
0x156: {  	[sflag:s30] =	ssyncset.done $0x0  }
0x157: {  	[sflag:s30] =	ssyncadd.s32 $0xFFFFC000  }
0x158: {  	_ =	swait.ge [sflag:s30], $0x3800  }
0x159: {  	[sflag:s30] =	ssyncset.done $0x0  }
0x15a: {  	[sflag:s30] =	ssyncadd.s32 $0xFFFFC800  }
0x15b: {  	_ =	swait.ge [sflag:s30], $0x2000  }
0x15c: {  	[sflag:s30] =	ssyncset.done $0x0  }
0x15d: {  	[sflag:s30] =	ssyncadd.s32 $0xFFFFE000  }
0x15e: {  	_ =	swait.ge [sflag:s30], $0x2000  }
0x15f: {  	s2 =	sld [smem:$0x7F2];
	_ =	sdelay $0x2  }
0x160: {  	s31 =	rddreg [dreg:$0xc];
	s2 =	sadd.s32 $0x1, s2  }
0x161: {  	p0 =	sne.s32 s2, s31  }
.Ltmp5:
0x162: {  	_ = 	snop;
	(pc) =	sbr.rel @p0 .LBB2_1-.Ltmp5, $3  }
0x163: {  	_ =	sdelay $0x1  }
0x164: {  	[sflag:s30] =	ssyncset.done $0x0  }
0x165: {  	[sflag:s30] =	ssyncadd.s32 $0xFFFFE000  }
0x166: {  	_ =	sfence.sel $0x180000  }
0x167: {  	[bflag:$0x0] =	sbarrier.arrive $0xFFFF  }
0x168: {  	_ =	strace $0x90000047  }
0x169: {  	s0 =	stileid.u32;
	[bflag:$0x2] =	sbarrier.arrive $0xFFFF  }
0x16a: {  	p0 =	sne.s32 s0, $0x0;
	s0 =	rddreg [dreg:$0x2]  }
0x16b: {  	s0 =	sadd.s32 @!p0 $0x100000, s0  }
0x16c: {  	[sflag:s0] =	ssyncadd.tile.s32 @!p0 $0x1;
	_ =	shalt  }
.Lfunc_end2:
_tile_overlayer_lowered:
.L_overlay_start_2:
0x16d: {  	(tag) =	ssettag $0x2  }
0x16e: {  	s0 =	rddreg [dreg:$0x0];
	s2 =	stileid.u32  }
0x16f: {  	s1 =	rddreg [dreg:$0x1];
	p0 =	sne.s32 s2, $0x0  }
0x170: {  	s3 =	rddreg [dreg:$0x2];
	[bflag:$0x3] =	sbarrier.arrive $0xFFFF;
	s2 =	simm.s32 @!p0 $0x1C04  }
0x171: {  	[timem:s3], [sflag:s2] =	dma.local @!p0 [hbm:s0], s1  }
0x172: {  	s0 =	simm.s32 @!p0 $0x4  }
0x173: {  	_ =	swait.ge @!p0 [sflag:s0], s1  }
0x174: {  	s1 =	ssub.s32 @!p0 $0x0, s1;
	[sflag:s0] =	ssyncset.done @!p0 $0x0  }
0x175: {  	[sflag:s0] =	ssyncadd.s32 @!p0 s1  }
0x176: {  	[bflag:$0x3] =	sbarrier.arrive $0xFFFF  }
0x177: {  	_ =	shalt  }

</sc_bundles>
